<compile_context>
chip_gen: v7x
topology: tpu7x:2x2x1
jax: 0.10.2.dev20260603
libtpu: 0.0.44.dev20260713+nightly
codegen_flags: <defaults>
</compile_context>

<pallas_src>
import jax
import jax.numpy as jnp
from jax import lax
from jax.experimental import pallas as pl
from jax.experimental.pallas import tpu as pltpu
from jax.experimental.pallas import tpu_sc as plsc

N_VALUES = 10
N_ATTR = 6
BATCH = 16384
NC, NS, L = 2, 16, 16
NW = NC * NS
BPW = BATCH // NW
EPW = BPW * N_ATTR
CHUNK = 128
NCHUNK = EPW // CHUNK


def _sc_body(x_hbm, map_hbm, out_hbm, xv, kv, iv, rowsf, outv, sem):
    wid = lax.axis_index("s") * NC + lax.axis_index("c")
    base = wid * EPW

    pltpu.sync_copy(x_hbm.at[pl.ds(base, EPW)], xv)

    lane = lax.iota(jnp.int32, L)

    def pack_step(g, _):
        addr = (g * L + lane) * N_ATTR
        k = plsc.load_gather(xv, [addr])
        for c in range(1, N_ATTR):
            k = k * N_VALUES + plsc.load_gather(xv, [addr + c])
        kv[pl.ds(g * L, L)] = k
        return _

    lax.fori_loop(0, BPW // L, pack_step, None, unroll=4)

    def exp_step(g, _):
        e = g * L + lane
        b = e // N_ATTR
        kk = plsc.load_gather(kv, [b])
        iv[pl.ds(g * L, L)] = kk * N_ATTR + (e - b * N_ATTR)
        return _

    lax.fori_loop(0, EPW // L, exp_step, None, unroll=4)

    copies = [
        pltpu.make_async_copy(
            map_hbm.at[iv.at[pl.ds(j * CHUNK, CHUNK)]],
            rowsf.at[pl.ds(j * CHUNK, CHUNK)],
            sem,
        )
        for j in range(NCHUNK)
    ]
    for c in copies:
        c.start()
    for c in copies:
        c.wait()

    def conv_step(g, _):
        outv[pl.ds(g * L, L)] = rowsf[pl.ds(g * L, L)].astype(jnp.int32) + 1
        return _

    lax.fori_loop(0, EPW // L, conv_step, None, unroll=4)

    pltpu.sync_copy(outv, out_hbm.at[pl.ds(base, EPW)])


@jax.jit
def _lookup(x_flat, map_flat):
    mesh = plsc.VectorSubcoreMesh(
        core_axis_name="c", subcore_axis_name="s", num_cores=NC, num_subcores=NS
    )
    return pl.kernel(
        _sc_body,
        out_type=jax.ShapeDtypeStruct((BATCH * N_ATTR,), jnp.int32),
        mesh=mesh,
        compiler_params=pltpu.CompilerParams(
            needs_layout_passes=False, use_tc_tiling_on_sc=False
        ),
        scratch_types=[
            pltpu.VMEM((EPW,), jnp.int32),
            pltpu.VMEM((BPW,), jnp.int32),
            pltpu.VMEM((EPW,), jnp.int32),
            pltpu.VMEM((EPW,), jnp.float32),
            pltpu.VMEM((EPW,), jnp.int32),
            pltpu.SemaphoreType.DMA,
        ],
    )(x_flat, map_flat)


def kernel(x, mapping):
    out = _lookup(x.reshape(-1), mapping.reshape(-1)).reshape(BATCH, N_ATTR)
    zeros = jnp.zeros((BATCH, N_ATTR), dtype=jnp.float32)
    return (out, zeros, zeros)

# --- scband reference (transcript-rebuilt; emitter-appended) ---
"""Pipeline reference for scband-unfactorized-identity-sender-19731079758012 (READ-ONLY COPY).

The authoritative reference and input builder live on the scoring server;
editing this copy changes nothing except your own understanding.
"""

import jax, jax.numpy as jnp
import numpy as np
import itertools

N_ATTRIBUTES = 6
N_VALUES = 10
BATCH = 16384

def setup_inputs(seed: int = 0) -> dict:
    key = jax.random.key(seed)
    k1, _ = jax.random.split(key)
    x = jax.random.randint(k1, (BATCH, N_ATTRIBUTES), 0, N_VALUES, dtype=jnp.int32)
    # Build the shuffled identity mapping table exactly like the torch module:
    # all n_values^n_attributes messages, randomly permuted, stored as the
    # (float) weight of an nn.Embedding(max_values, n_attributes).
    all_messages = np.array(list(itertools.product(range(N_VALUES), repeat=N_ATTRIBUTES)), dtype=np.float32)
    perm = np.random.default_rng(0).permutation(all_messages.shape[0])
    mapping = jnp.asarray(all_messages[perm])  # [1000000, 6] float32
    return {"x": x, "mapping": mapping}

def reference(x, mapping):
    # k = x[:,0]; for i in 1..A-1: k = k * n_values + x[:,i]
    k = x[:, 0]
    for i in range(1, x.shape[1]):
        k = k * N_VALUES + x[:, i]
    # with torch.no_grad(): x = self.mapping(k).long()
    looked = jnp.take(mapping, k, axis=0).astype(jnp.int32)
    zeros = jnp.zeros((x.shape[0], looked.shape[1]), dtype=jnp.float32)
    return (looked + 1, zeros, zeros)

if __name__ == "__main__":
    import jax
    _d = setup_inputs()
    print(jax.jit(kernel)(*tuple(_d.values())))

</pallas_src>

<mosaic_0001>
#map = affine_map<(d0, d1) -> (0)>
module attributes {stable_mosaic.version = 14 : i64} {
  func.func @_sc_body(%arg0: i32, %arg1: i32, %arg2: memref<98304xi32, #tpu.memory_space<hbm>>, %arg3: memref<6000000xf32, #tpu.memory_space<hbm>>, %arg4: memref<98304xi32, #tpu.memory_space<hbm>>, %arg5: memref<3072xi32, #tpu.memory_space<vmem>>, %arg6: memref<512xi32, #tpu.memory_space<vmem>>, %arg7: memref<3072xi32, #tpu.memory_space<vmem>>, %arg8: memref<3072xf32, #tpu.memory_space<vmem>>, %arg9: memref<3072xi32, #tpu.memory_space<vmem>>, %arg10: memref<!tpu.dma_semaphore, #tpu.memory_space<semaphore_mem>>) attributes {dimension_semantics = [#tpu.dimension_semantics<core_parallel>, #tpu.dimension_semantics<subcore_parallel>], iteration_bounds = array<i64: 2, 16>, scalar_prefetch = 0 : i64, scratch_operands = 6 : i64, tpu.core_type = #tpu.core_type<sc_vector_subcore>, window_params = [{transform_indices = #map}, {transform_indices = #map}, {transform_indices = #map}]} {
    %mul3A = arith.constant 2 : i32
    %mul3A_0 = arith.muli %arg1, %mul3A : i32
    %add3A = arith.addi %mul3A_0, %arg0 : i32
    %mul3A_1 = arith.constant 3072 : i32
    %mul3A_2 = arith.muli %add3A, %mul3A_1 : i32
    "tpu.region"() ({
      %run_scoped3A = tpu.sem_alloc : memref<!tpu.dma_semaphore, #tpu.memory_space<semaphore_mem>>
      %dma_start3A_303 = tpu.memref_slice %arg2[%mul3A_2] : memref<98304xi32, #tpu.memory_space<hbm>> -> memref<3072xi32, #tpu.memory_space<hbm>>
      %dma_start3A_304 = tpu.memref_slice %arg2[%mul3A_2] : memref<98304xi32, #tpu.memory_space<hbm>> -> memref<3072xi32, #tpu.memory_space<hbm>>
      tpu.enqueue_dma source(%dma_start3A_304 : memref<3072xi32, #tpu.memory_space<hbm>>) target(%arg5 : memref<3072xi32, #tpu.memory_space<vmem>>) target_semaphore(%run_scoped3A : memref<!tpu.dma_semaphore, #tpu.memory_space<semaphore_mem>>)
      %dma_wait3A_305 = tpu.memref_slice %arg2[%mul3A_2] : memref<98304xi32, #tpu.memory_space<hbm>> -> memref<3072xi32, #tpu.memory_space<hbm>>
      %dma_wait3A_306 = tpu.memref_slice %arg2[%mul3A_2] : memref<98304xi32, #tpu.memory_space<hbm>> -> memref<3072xi32, #tpu.memory_space<hbm>>
      tpu.wait_dma2 semaphore(%run_scoped3A : memref<!tpu.dma_semaphore, #tpu.memory_space<semaphore_mem>>) src(%dma_wait3A_306 : memref<3072xi32, #tpu.memory_space<hbm>>) dst(%arg5 : memref<3072xi32, #tpu.memory_space<vmem>>)
      tpu.yield
    }) : () -> ()
    %iota3A = tpu.iota {dimensions = array<i32: 0>} : vector<16xi32>
    %scan3A = arith.constant 0 : i32
    %scan3A_3 = arith.constant 32 : i32
    %scan3A_4 = arith.addi %scan3A, %scan3A_3 : i32
    %scan3A_5 = arith.constant 4 : i32
    scf.for %scan3A_303 = %scan3A to %scan3A_4 step %scan3A_5  : i32 {
      %mul3A_304 = arith.constant 16 : i32
      %mul3A_305 = arith.muli %scan3A_303, %mul3A_304 : i32
      %add3A_306 = vector.broadcast %mul3A_305 : i32 to vector<16xi32>
      %add3A_307 = arith.addi %add3A_306, %iota3A : vector<16xi32>
      %mul3A_308 = arith.constant 6 : i32
      %mul3A_309 = vector.broadcast %mul3A_308 : i32 to vector<16xi32>
      %mul3A_310 = arith.muli %add3A_307, %mul3A_309 : vector<16xi32>
      %gather3A = tpu.vector_load_idx %arg5[%mul3A_310] : memref<3072xi32, #tpu.memory_space<vmem>>[vector<16xi32>], vector<16xi32>,
      %mul3A_311 = arith.constant 10 : i32
      %mul3A_312 = vector.broadcast %mul3A_311 : i32 to vector<16xi32>
      %mul3A_313 = arith.muli %gather3A, %mul3A_312 : vector<16xi32>
      %add3A_314 = arith.constant 1 : i32
      %add3A_315 = vector.broadcast %add3A_314 : i32 to vector<16xi32>
      %add3A_316 = arith.addi %mul3A_310, %add3A_315 : vector<16xi32>
      %gather3A_317 = tpu.vector_load_idx %arg5[%add3A_316] : memref<3072xi32, #tpu.memory_space<vmem>>[vector<16xi32>], vector<16xi32>,
      %add3A_318 = arith.addi %mul3A_313, %gather3A_317 : vector<16xi32>
      %mul3A_319 = arith.constant 10 : i32
      %mul3A_320 = vector.broadcast %mul3A_319 : i32 to vector<16xi32>
      %mul3A_321 = arith.muli %add3A_318, %mul3A_320 : vector<16xi32>
      %add3A_322 = arith.constant 2 : i32
      %add3A_323 = vector.broadcast %add3A_322 : i32 to vector<16xi32>
      %add3A_324 = arith.addi %mul3A_310, %add3A_323 : vector<16xi32>
      %gather3A_325 = tpu.vector_load_idx %arg5[%add3A_324] : memref<3072xi32, #tpu.memory_space<vmem>>[vector<16xi32>], vector<16xi32>,
      %add3A_326 = arith.addi %mul3A_321, %gather3A_325 : vector<16xi32>
      %mul3A_327 = arith.constant 10 : i32
      %mul3A_328 = vector.broadcast %mul3A_327 : i32 to vector<16xi32>
      %mul3A_329 = arith.muli %add3A_326, %mul3A_328 : vector<16xi32>
      %add3A_330 = arith.constant 3 : i32
      %add3A_331 = vector.broadcast %add3A_330 : i32 to vector<16xi32>
      %add3A_332 = arith.addi %mul3A_310, %add3A_331 : vector<16xi32>
      %gather3A_333 = tpu.vector_load_idx %arg5[%add3A_332] : memref<3072xi32, #tpu.memory_space<vmem>>[vector<16xi32>], vector<16xi32>,
      %add3A_334 = arith.addi %mul3A_329, %gather3A_333 : vector<16xi32>
      %mul3A_335 = arith.constant 10 : i32
      %mul3A_336 = vector.broadcast %mul3A_335 : i32 to vector<16xi32>
      %mul3A_337 = arith.muli %add3A_334, %mul3A_336 : vector<16xi32>
      %add3A_338 = arith.constant 4 : i32
      %add3A_339 = vector.broadcast %add3A_338 : i32 to vector<16xi32>
      %add3A_340 = arith.addi %mul3A_310, %add3A_339 : vector<16xi32>
      %gather3A_341 = tpu.vector_load_idx %arg5[%add3A_340] : memref<3072xi32, #tpu.memory_space<vmem>>[vector<16xi32>], vector<16xi32>,
      %add3A_342 = arith.addi %mul3A_337, %gather3A_341 : vector<16xi32>
      %mul3A_343 = arith.constant 10 : i32
      %mul3A_344 = vector.broadcast %mul3A_343 : i32 to vector<16xi32>
      %mul3A_345 = arith.muli %add3A_342, %mul3A_344 : vector<16xi32>
      %add3A_346 = arith.constant 5 : i32
      %add3A_347 = vector.broadcast %add3A_346 : i32 to vector<16xi32>
      %add3A_348 = arith.addi %mul3A_310, %add3A_347 : vector<16xi32>
      %gather3A_349 = tpu.vector_load_idx %arg5[%add3A_348] : memref<3072xi32, #tpu.memory_space<vmem>>[vector<16xi32>], vector<16xi32>,
      %add3A_350 = arith.addi %mul3A_345, %gather3A_349 : vector<16xi32>
      %mul3A_351 = arith.constant 16 : i32
      %mul3A_352 = arith.muli %scan3A_303, %mul3A_351 : i32
      %swap3A = arith.index_cast %mul3A_352 : i32 to index
      %swap3A_353 = tpu.vector_load %arg6[%swap3A] {strides = array<i32>} : memref<512xi32, #tpu.memory_space<vmem>>, vector<16xi32>,
      tpu.vector_store %arg6[%swap3A], %add3A_350 {strides = array<i32>} : memref<512xi32, #tpu.memory_space<vmem>>, vector<16xi32>,
      %scan3A_354 = arith.constant 1 : i32
      %scan3A_355 = arith.addi %scan3A_303, %scan3A_354 : i32
      %mul3A_356 = arith.constant 16 : i32
      %mul3A_357 = arith.muli %scan3A_355, %mul3A_356 : i32
      %add3A_358 = vector.broadcast %mul3A_357 : i32 to vector<16xi32>
      %add3A_359 = arith.addi %add3A_358, %iota3A : vector<16xi32>
      %mul3A_360 = arith.constant 6 : i32
      %mul3A_361 = vector.broadcast %mul3A_360 : i32 to vector<16xi32>
      %mul3A_362 = arith.muli %add3A_359, %mul3A_361 : vector<16xi32>
      %gather3A_363 = tpu.vector_load_idx %arg5[%mul3A_362] : memref<3072xi32, #tpu.memory_space<vmem>>[vector<16xi32>], vector<16xi32>,
      %mul3A_364 = arith.constant 10 : i32
      %mul3A_365 = vector.broadcast %mul3A_364 : i32 to vector<16xi32>
      %mul3A_366 = arith.muli %gather3A_363, %mul3A_365 : vector<16xi32>
      %add3A_367 = arith.constant 1 : i32
      %add3A_368 = vector.broadcast %add3A_367 : i32 to vector<16xi32>
      %add3A_369 = arith.addi %mul3A_362, %add3A_368 : vector<16xi32>
      %gather3A_370 = tpu.vector_load_idx %arg5[%add3A_369] : memref<3072xi32, #tpu.memory_space<vmem>>[vector<16xi32>], vector<16xi32>,
      %add3A_371 = arith.addi %mul3A_366, %gather3A_370 : vector<16xi32>
      %mul3A_372 = arith.constant 10 : i32
      %mul3A_373 = vector.broadcast %mul3A_372 : i32 to vector<16xi32>
      %mul3A_374 = arith.muli %add3A_371, %mul3A_373 : vector<16xi32>
      %add3A_375 = arith.constant 2 : i32
      %add3A_376 = vector.broadcast %add3A_375 : i32 to vector<16xi32>
      %add3A_377 = arith.addi %mul3A_362, %add3A_376 : vector<16xi32>
      %gather3A_378 = tpu.vector_load_idx %arg5[%add3A_377] : memref<3072xi32, #tpu.memory_space<vmem>>[vector<16xi32>], vector<16xi32>,
      %add3A_379 = arith.addi %mul3A_374, %gather3A_378 : vector<16xi32>
      %mul3A_380 = arith.constant 10 : i32
      %mul3A_381 = vector.broadcast %mul3A_380 : i32 to vector<16xi32>
      %mul3A_382 = arith.muli %add3A_379, %mul3A_381 : vector<16xi32>
      %add3A_383 = arith.constant 3 : i32
      %add3A_384 = vector.broadcast %add3A_383 : i32 to vector<16xi32>
      %add3A_385 = arith.addi %mul3A_362, %add3A_384 : vector<16xi32>
      %gather3A_386 = tpu.vector_load_idx %arg5[%add3A_385] : memref<3072xi32, #tpu.memory_space<vmem>>[vector<16xi32>], vector<16xi32>,
      %add3A_387 = arith.addi %mul3A_382, %gather3A_386 : vector<16xi32>
      %mul3A_388 = arith.constant 10 : i32
      %mul3A_389 = vector.broadcast %mul3A_388 : i32 to vector<16xi32>
      %mul3A_390 = arith.muli %add3A_387, %mul3A_389 : vector<16xi32>
      %add3A_391 = arith.constant 4 : i32
      %add3A_392 = vector.broadcast %add3A_391 : i32 to vector<16xi32>
      %add3A_393 = arith.addi %mul3A_362, %add3A_392 : vector<16xi32>
      %gather3A_394 = tpu.vector_load_idx %arg5[%add3A_393] : memref<3072xi32, #tpu.memory_space<vmem>>[vector<16xi32>], vector<16xi32>,
      %add3A_395 = arith.addi %mul3A_390, %gather3A_394 : vector<16xi32>
      %mul3A_396 = arith.constant 10 : i32
      %mul3A_397 = vector.broadcast %mul3A_396 : i32 to vector<16xi32>
      %mul3A_398 = arith.muli %add3A_395, %mul3A_397 : vector<16xi32>
      %add3A_399 = arith.constant 5 : i32
      %add3A_400 = vector.broadcast %add3A_399 : i32 to vector<16xi32>
      %add3A_401 = arith.addi %mul3A_362, %add3A_400 : vector<16xi32>
      %gather3A_402 = tpu.vector_load_idx %arg5[%add3A_401] : memref<3072xi32, #tpu.memory_space<vmem>>[vector<16xi32>], vector<16xi32>,
      %add3A_403 = arith.addi %mul3A_398, %gather3A_402 : vector<16xi32>
      %mul3A_404 = arith.constant 16 : i32
      %mul3A_405 = arith.muli %scan3A_355, %mul3A_404 : i32
      %swap3A_406 = arith.index_cast %mul3A_405 : i32 to index
      %swap3A_407 = tpu.vector_load %arg6[%swap3A_406] {strides = array<i32>} : memref<512xi32, #tpu.memory_space<vmem>>, vector<16xi32>,
      tpu.vector_store %arg6[%swap3A_406], %add3A_403 {strides = array<i32>} : memref<512xi32, #tpu.memory_space<vmem>>, vector<16xi32>,
      %scan3A_408 = arith.constant 2 : i32
      %scan3A_409 = arith.addi %scan3A_303, %scan3A_408 : i32
      %mul3A_410 = arith.constant 16 : i32
      %mul3A_411 = arith.muli %scan3A_409, %mul3A_410 : i32
      %add3A_412 = vector.broadcast %mul3A_411 : i32 to vector<16xi32>
      %add3A_413 = arith.addi %add3A_412, %iota3A : vector<16xi32>
      %mul3A_414 = arith.constant 6 : i32
      %mul3A_415 = vector.broadcast %mul3A_414 : i32 to vector<16xi32>
      %mul3A_416 = arith.muli %add3A_413, %mul3A_415 : vector<16xi32>
      %gather3A_417 = tpu.vector_load_idx %arg5[%mul3A_416] : memref<3072xi32, #tpu.memory_space<vmem>>[vector<16xi32>], vector<16xi32>,
      %mul3A_418 = arith.constant 10 : i32
      %mul3A_419 = vector.broadcast %mul3A_418 : i32 to vector<16xi32>
      %mul3A_420 = arith.muli %gather3A_417, %mul3A_419 : vector<16xi32>
      %add3A_421 = arith.constant 1 : i32
      %add3A_422 = vector.broadcast %add3A_421 : i32 to vector<16xi32>
      %add3A_423 = arith.addi %mul3A_416, %add3A_422 : vector<16xi32>
      %gather3A_424 = tpu.vector_load_idx %arg5[%add3A_423] : memref<3072xi32, #tpu.memory_space<vmem>>[vector<16xi32>], vector<16xi32>,
      %add3A_425 = arith.addi %mul3A_420, %gather3A_424 : vector<16xi32>
      %mul3A_426 = arith.constant 10 : i32
      %mul3A_427 = vector.broadcast %mul3A_426 : i32 to vector<16xi32>
      %mul3A_428 = arith.muli %add3A_425, %mul3A_427 : vector<16xi32>
      %add3A_429 = arith.constant 2 : i32
      %add3A_430 = vector.broadcast %add3A_429 : i32 to vector<16xi32>
      %add3A_431 = arith.addi %mul3A_416, %add3A_430 : vector<16xi32>
      %gather3A_432 = tpu.vector_load_idx %arg5[%add3A_431] : memref<3072xi32, #tpu.memory_space<vmem>>[vector<16xi32>], vector<16xi32>,
      %add3A_433 = arith.addi %mul3A_428, %gather3A_432 : vector<16xi32>
      %mul3A_434 = arith.constant 10 : i32
      %mul3A_435 = vector.broadcast %mul3A_434 : i32 to vector<16xi32>
      %mul3A_436 = arith.muli %add3A_433, %mul3A_435 : vector<16xi32>
      %add3A_437 = arith.constant 3 : i32
      %add3A_438 = vector.broadcast %add3A_437 : i32 to vector<16xi32>
      %add3A_439 = arith.addi %mul3A_416, %add3A_438 : vector<16xi32>
      %gather3A_440 = tpu.vector_load_idx %arg5[%add3A_439] : memref<3072xi32, #tpu.memory_space<vmem>>[vector<16xi32>], vector<16xi32>,
      %add3A_441 = arith.addi %mul3A_436, %gather3A_440 : vector<16xi32>
      %mul3A_442 = arith.constant 10 : i32
      %mul3A_443 = vector.broadcast %mul3A_442 : i32 to vector<16xi32>
      %mul3A_444 = arith.muli %add3A_441, %mul3A_443 : vector<16xi32>
      %add3A_445 = arith.constant 4 : i32
      %add3A_446 = vector.broadcast %add3A_445 : i32 to vector<16xi32>
      %add3A_447 = arith.addi %mul3A_416, %add3A_446 : vector<16xi32>
      %gather3A_448 = tpu.vector_load_idx %arg5[%add3A_447] : memref<3072xi32, #tpu.memory_space<vmem>>[vector<16xi32>], vector<16xi32>,
      %add3A_449 = arith.addi %mul3A_444, %gather3A_448 : vector<16xi32>
      %mul3A_450 = arith.constant 10 : i32
      %mul3A_451 = vector.broadcast %mul3A_450 : i32 to vector<16xi32>
      %mul3A_452 = arith.muli %add3A_449, %mul3A_451 : vector<16xi32>
      %add3A_453 = arith.constant 5 : i32
      %add3A_454 = vector.broadcast %add3A_453 : i32 to vector<16xi32>
      %add3A_455 = arith.addi %mul3A_416, %add3A_454 : vector<16xi32>
      %gather3A_456 = tpu.vector_load_idx %arg5[%add3A_455] : memref<3072xi32, #tpu.memory_space<vmem>>[vector<16xi32>], vector<16xi32>,
      %add3A_457 = arith.addi %mul3A_452, %gather3A_456 : vector<16xi32>
      %mul3A_458 = arith.constant 16 : i32
      %mul3A_459 = arith.muli %scan3A_409, %mul3A_458 : i32
      %swap3A_460 = arith.index_cast %mul3A_459 : i32 to index
      %swap3A_461 = tpu.vector_load %arg6[%swap3A_460] {strides = array<i32>} : memref<512xi32, #tpu.memory_space<vmem>>, vector<16xi32>,
      tpu.vector_store %arg6[%swap3A_460], %add3A_457 {strides = array<i32>} : memref<512xi32, #tpu.memory_space<vmem>>, vector<16xi32>,
      %scan3A_462 = arith.constant 3 : i32
      %scan3A_463 = arith.addi %scan3A_303, %scan3A_462 : i32
      %mul3A_464 = arith.constant 16 : i32
      %mul3A_465 = arith.muli %scan3A_463, %mul3A_464 : i32
      %add3A_466 = vector.broadcast %mul3A_465 : i32 to vector<16xi32>
      %add3A_467 = arith.addi %add3A_466, %iota3A : vector<16xi32>
      %mul3A_468 = arith.constant 6 : i32
      %mul3A_469 = vector.broadcast %mul3A_468 : i32 to vector<16xi32>
      %mul3A_470 = arith.muli %add3A_467, %mul3A_469 : vector<16xi32>
      %gather3A_471 = tpu.vector_load_idx %arg5[%mul3A_470] : memref<3072xi32, #tpu.memory_space<vmem>>[vector<16xi32>], vector<16xi32>,
      %mul3A_472 = arith.constant 10 : i32
      %mul3A_473 = vector.broadcast %mul3A_472 : i32 to vector<16xi32>
      %mul3A_474 = arith.muli %gather3A_471, %mul3A_473 : vector<16xi32>
      %add3A_475 = arith.constant 1 : i32
      %add3A_476 = vector.broadcast %add3A_475 : i32 to vector<16xi32>
      %add3A_477 = arith.addi %mul3A_470, %add3A_476 : vector<16xi32>
      %gather3A_478 = tpu.vector_load_idx %arg5[%add3A_477] : memref<3072xi32, #tpu.memory_space<vmem>>[vector<16xi32>], vector<16xi32>,
      %add3A_479 = arith.addi %mul3A_474, %gather3A_478 : vector<16xi32>
      %mul3A_480 = arith.constant 10 : i32
      %mul3A_481 = vector.broadcast %mul3A_480 : i32 to vector<16xi32>
      %mul3A_482 = arith.muli %add3A_479, %mul3A_481 : vector<16xi32>
      %add3A_483 = arith.constant 2 : i32
      %add3A_484 = vector.broadcast %add3A_483 : i32 to vector<16xi32>
      %add3A_485 = arith.addi %mul3A_470, %add3A_484 : vector<16xi32>
      %gather3A_486 = tpu.vector_load_idx %arg5[%add3A_485] : memref<3072xi32, #tpu.memory_space<vmem>>[vector<16xi32>], vector<16xi32>,
      %add3A_487 = arith.addi %mul3A_482, %gather3A_486 : vector<16xi32>
      %mul3A_488 = arith.constant 10 : i32
      %mul3A_489 = vector.broadcast %mul3A_488 : i32 to vector<16xi32>
      %mul3A_490 = arith.muli %add3A_487, %mul3A_489 : vector<16xi32>
      %add3A_491 = arith.constant 3 : i32
      %add3A_492 = vector.broadcast %add3A_491 : i32 to vector<16xi32>
      %add3A_493 = arith.addi %mul3A_470, %add3A_492 : vector<16xi32>
      %gather3A_494 = tpu.vector_load_idx %arg5[%add3A_493] : memref<3072xi32, #tpu.memory_space<vmem>>[vector<16xi32>], vector<16xi32>,
      %add3A_495 = arith.addi %mul3A_490, %gather3A_494 : vector<16xi32>
      %mul3A_496 = arith.constant 10 : i32
      %mul3A_497 = vector.broadcast %mul3A_496 : i32 to vector<16xi32>
      %mul3A_498 = arith.muli %add3A_495, %mul3A_497 : vector<16xi32>
      %add3A_499 = arith.constant 4 : i32
      %add3A_500 = vector.broadcast %add3A_499 : i32 to vector<16xi32>
      %add3A_501 = arith.addi %mul3A_470, %add3A_500 : vector<16xi32>
      %gather3A_502 = tpu.vector_load_idx %arg5[%add3A_501] : memref<3072xi32, #tpu.memory_space<vmem>>[vector<16xi32>], vector<16xi32>,
      %add3A_503 = arith.addi %mul3A_498, %gather3A_502 : vector<16xi32>
      %mul3A_504 = arith.constant 10 : i32
      %mul3A_505 = vector.broadcast %mul3A_504 : i32 to vector<16xi32>
      %mul3A_506 = arith.muli %add3A_503, %mul3A_505 : vector<16xi32>
      %add3A_507 = arith.constant 5 : i32
      %add3A_508 = vector.broadcast %add3A_507 : i32 to vector<16xi32>
      %add3A_509 = arith.addi %mul3A_470, %add3A_508 : vector<16xi32>
      %gather3A_510 = tpu.vector_load_idx %arg5[%add3A_509] : memref<3072xi32, #tpu.memory_space<vmem>>[vector<16xi32>], vector<16xi32>,
      %add3A_511 = arith.addi %mul3A_506, %gather3A_510 : vector<16xi32>
      %mul3A_512 = arith.constant 16 : i32
      %mul3A_513 = arith.muli %scan3A_463, %mul3A_512 : i32
      %swap3A_514 = arith.index_cast %mul3A_513 : i32 to index
      %swap3A_515 = tpu.vector_load %arg6[%swap3A_514] {strides = array<i32>} : memref<512xi32, #tpu.memory_space<vmem>>, vector<16xi32>,
      tpu.vector_store %arg6[%swap3A_514], %add3A_511 {strides = array<i32>} : memref<512xi32, #tpu.memory_space<vmem>>, vector<16xi32>,
    }
    %scan3A_6 = arith.constant 32 : i32
    %scan3A_7 = arith.constant 0 : i32
    %scan3A_8 = arith.constant 192 : i32
    %scan3A_9 = arith.addi %scan3A_7, %scan3A_8 : i32
    %scan3A_10 = arith.constant 4 : i32
    scf.for %scan3A_303 = %scan3A_7 to %scan3A_9 step %scan3A_10  : i32 {
      %mul3A_304 = arith.constant 16 : i32
      %mul3A_305 = arith.muli %scan3A_303, %mul3A_304 : i32
      %add3A_306 = vector.broadcast %mul3A_305 : i32 to vector<16xi32>
      %add3A_307 = arith.addi %add3A_306, %iota3A : vector<16xi32>
      %jit3A = arith.constant 6 : i32
      %div3A = vector.broadcast %jit3A : i32 to vector<16xi32>
      %div3A_308 = arith.divsi %add3A_307, %div3A : vector<16xi32>
      %sign3A = arith.constant 0 : i32
      %sign3A_309 = vector.broadcast %sign3A : i32 to vector<16xi32>
      %sign3A_310 = arith.cmpi sgt, %add3A_307, %sign3A_309 : vector<16xi32>
      %sign3A_311 = arith.extui %sign3A_310 : vector<16xi1> to vector<16xi32>
      %sign3A_312 = arith.constant 0 : i32
      %sign3A_313 = vector.broadcast %sign3A_312 : i32 to vector<16xi32>
      %sign3A_314 = arith.cmpi slt, %add3A_307, %sign3A_313 : vector<16xi32>
      %sign3A_315 = arith.extui %sign3A_314 : vector<16xi1> to vector<16xi32>
      %sign3A_316 = arith.subi %sign3A_311, %sign3A_315 : vector<16xi32>
      %sign3A_317 = arith.constant 0 : i32
      %sign3A_318 = arith.cmpi sgt, %jit3A, %sign3A_317 : i32
      %sign3A_319 = arith.extui %sign3A_318 : i1 to i32
      %sign3A_320 = arith.constant 0 : i32
      %sign3A_321 = arith.cmpi slt, %jit3A, %sign3A_320 : i32
      %sign3A_322 = arith.extui %sign3A_321 : i1 to i32
      %sign3A_323 = arith.subi %sign3A_319, %sign3A_322 : i32
      %ne3A = vector.broadcast %sign3A_323 : i32 to vector<16xi32>
      %ne3A_324 = arith.cmpi ne, %sign3A_316, %ne3A : vector<16xi32>
      %rem3A = vector.broadcast %jit3A : i32 to vector<16xi32>
      %rem3A_325 = arith.remsi %add3A_307, %rem3A : vector<16xi32>
      %ne3A_326 = arith.constant 0 : i32
      %ne3A_327 = vector.broadcast %ne3A_326 : i32 to vector<16xi32>
      %ne3A_328 = arith.cmpi ne, %rem3A_325, %ne3A_327 : vector<16xi32>
      %and3A = arith.andi %ne3A_324, %ne3A_328 : vector<16xi1>
      %sub3A = arith.constant 1 : i32
      %sub3A_329 = vector.broadcast %sub3A : i32 to vector<16xi32>
      %sub3A_330 = arith.subi %div3A_308, %sub3A_329 : vector<16xi32>
      %select_n3A = arith.select %and3A, %sub3A_330, %div3A_308 : vector<16xi1>, vector<16xi32>
      %gather3A = tpu.vector_load_idx %arg6[%select_n3A] : memref<512xi32, #tpu.memory_space<vmem>>[vector<16xi32>], vector<16xi32>,
      %mul3A_331 = arith.constant 6 : i32
      %mul3A_332 = vector.broadcast %mul3A_331 : i32 to vector<16xi32>
      %mul3A_333 = arith.muli %gather3A, %mul3A_332 : vector<16xi32>
      %mul3A_334 = arith.constant 6 : i32
      %mul3A_335 = vector.broadcast %mul3A_334 : i32 to vector<16xi32>
      %mul3A_336 = arith.muli %select_n3A, %mul3A_335 : vector<16xi32>
      %sub3A_337 = arith.subi %add3A_307, %mul3A_336 : vector<16xi32>
      %add3A_338 = arith.addi %mul3A_333, %sub3A_337 : vector<16xi32>
      %mul3A_339 = arith.constant 16 : i32
      %mul3A_340 = arith.muli %scan3A_303, %mul3A_339 : i32
      %swap3A = arith.index_cast %mul3A_340 : i32 to index
      %swap3A_341 = tpu.vector_load %arg7[%swap3A] {strides = array<i32>} : memref<3072xi32, #tpu.memory_space<vmem>>, vector<16xi32>,
      tpu.vector_store %arg7[%swap3A], %add3A_338 {strides = array<i32>} : memref<3072xi32, #tpu.memory_space<vmem>>, vector<16xi32>,
      %scan3A_342 = arith.constant 1 : i32
      %scan3A_343 = arith.addi %scan3A_303, %scan3A_342 : i32
      %mul3A_344 = arith.constant 16 : i32
      %mul3A_345 = arith.muli %scan3A_343, %mul3A_344 : i32
      %add3A_346 = vector.broadcast %mul3A_345 : i32 to vector<16xi32>
      %add3A_347 = arith.addi %add3A_346, %iota3A : vector<16xi32>
      %jit3A_348 = arith.constant 6 : i32
      %div3A_349 = vector.broadcast %jit3A_348 : i32 to vector<16xi32>
      %div3A_350 = arith.divsi %add3A_347, %div3A_349 : vector<16xi32>
      %sign3A_351 = arith.constant 0 : i32
      %sign3A_352 = vector.broadcast %sign3A_351 : i32 to vector<16xi32>
      %sign3A_353 = arith.cmpi sgt, %add3A_347, %sign3A_352 : vector<16xi32>
      %sign3A_354 = arith.extui %sign3A_353 : vector<16xi1> to vector<16xi32>
      %sign3A_355 = arith.constant 0 : i32
      %sign3A_356 = vector.broadcast %sign3A_355 : i32 to vector<16xi32>
      %sign3A_357 = arith.cmpi slt, %add3A_347, %sign3A_356 : vector<16xi32>
      %sign3A_358 = arith.extui %sign3A_357 : vector<16xi1> to vector<16xi32>
      %sign3A_359 = arith.subi %sign3A_354, %sign3A_358 : vector<16xi32>
      %sign3A_360 = arith.constant 0 : i32
      %sign3A_361 = arith.cmpi sgt, %jit3A_348, %sign3A_360 : i32
      %sign3A_362 = arith.extui %sign3A_361 : i1 to i32
      %sign3A_363 = arith.constant 0 : i32
      %sign3A_364 = arith.cmpi slt, %jit3A_348, %sign3A_363 : i32
      %sign3A_365 = arith.extui %sign3A_364 : i1 to i32
      %sign3A_366 = arith.subi %sign3A_362, %sign3A_365 : i32
      %ne3A_367 = vector.broadcast %sign3A_366 : i32 to vector<16xi32>
      %ne3A_368 = arith.cmpi ne, %sign3A_359, %ne3A_367 : vector<16xi32>
      %rem3A_369 = vector.broadcast %jit3A_348 : i32 to vector<16xi32>
      %rem3A_370 = arith.remsi %add3A_347, %rem3A_369 : vector<16xi32>
      %ne3A_371 = arith.constant 0 : i32
      %ne3A_372 = vector.broadcast %ne3A_371 : i32 to vector<16xi32>
      %ne3A_373 = arith.cmpi ne, %rem3A_370, %ne3A_372 : vector<16xi32>
      %and3A_374 = arith.andi %ne3A_368, %ne3A_373 : vector<16xi1>
      %sub3A_375 = arith.constant 1 : i32
      %sub3A_376 = vector.broadcast %sub3A_375 : i32 to vector<16xi32>
      %sub3A_377 = arith.subi %div3A_350, %sub3A_376 : vector<16xi32>
      %select_n3A_378 = arith.select %and3A_374, %sub3A_377, %div3A_350 : vector<16xi1>, vector<16xi32>
      %gather3A_379 = tpu.vector_load_idx %arg6[%select_n3A_378] : memref<512xi32, #tpu.memory_space<vmem>>[vector<16xi32>], vector<16xi32>,
      %mul3A_380 = arith.constant 6 : i32
      %mul3A_381 = vector.broadcast %mul3A_380 : i32 to vector<16xi32>
      %mul3A_382 = arith.muli %gather3A_379, %mul3A_381 : vector<16xi32>
      %mul3A_383 = arith.constant 6 : i32
      %mul3A_384 = vector.broadcast %mul3A_383 : i32 to vector<16xi32>
      %mul3A_385 = arith.muli %select_n3A_378, %mul3A_384 : vector<16xi32>
      %sub3A_386 = arith.subi %add3A_347, %mul3A_385 : vector<16xi32>
      %add3A_387 = arith.addi %mul3A_382, %sub3A_386 : vector<16xi32>
      %mul3A_388 = arith.constant 16 : i32
      %mul3A_389 = arith.muli %scan3A_343, %mul3A_388 : i32
      %swap3A_390 = arith.index_cast %mul3A_389 : i32 to index
      %swap3A_391 = tpu.vector_load %arg7[%swap3A_390] {strides = array<i32>} : memref<3072xi32, #tpu.memory_space<vmem>>, vector<16xi32>,
      tpu.vector_store %arg7[%swap3A_390], %add3A_387 {strides = array<i32>} : memref<3072xi32, #tpu.memory_space<vmem>>, vector<16xi32>,
      %scan3A_392 = arith.constant 2 : i32
      %scan3A_393 = arith.addi %scan3A_303, %scan3A_392 : i32
      %mul3A_394 = arith.constant 16 : i32
      %mul3A_395 = arith.muli %scan3A_393, %mul3A_394 : i32
      %add3A_396 = vector.broadcast %mul3A_395 : i32 to vector<16xi32>
      %add3A_397 = arith.addi %add3A_396, %iota3A : vector<16xi32>
      %jit3A_398 = arith.constant 6 : i32
      %div3A_399 = vector.broadcast %jit3A_398 : i32 to vector<16xi32>
      %div3A_400 = arith.divsi %add3A_397, %div3A_399 : vector<16xi32>
      %sign3A_401 = arith.constant 0 : i32
      %sign3A_402 = vector.broadcast %sign3A_401 : i32 to vector<16xi32>
      %sign3A_403 = arith.cmpi sgt, %add3A_397, %sign3A_402 : vector<16xi32>
      %sign3A_404 = arith.extui %sign3A_403 : vector<16xi1> to vector<16xi32>
      %sign3A_405 = arith.constant 0 : i32
      %sign3A_406 = vector.broadcast %sign3A_405 : i32 to vector<16xi32>
      %sign3A_407 = arith.cmpi slt, %add3A_397, %sign3A_406 : vector<16xi32>
      %sign3A_408 = arith.extui %sign3A_407 : vector<16xi1> to vector<16xi32>
      %sign3A_409 = arith.subi %sign3A_404, %sign3A_408 : vector<16xi32>
      %sign3A_410 = arith.constant 0 : i32
      %sign3A_411 = arith.cmpi sgt, %jit3A_398, %sign3A_410 : i32
      %sign3A_412 = arith.extui %sign3A_411 : i1 to i32
      %sign3A_413 = arith.constant 0 : i32
      %sign3A_414 = arith.cmpi slt, %jit3A_398, %sign3A_413 : i32
      %sign3A_415 = arith.extui %sign3A_414 : i1 to i32
      %sign3A_416 = arith.subi %sign3A_412, %sign3A_415 : i32
      %ne3A_417 = vector.broadcast %sign3A_416 : i32 to vector<16xi32>
      %ne3A_418 = arith.cmpi ne, %sign3A_409, %ne3A_417 : vector<16xi32>
      %rem3A_419 = vector.broadcast %jit3A_398 : i32 to vector<16xi32>
      %rem3A_420 = arith.remsi %add3A_397, %rem3A_419 : vector<16xi32>
      %ne3A_421 = arith.constant 0 : i32
      %ne3A_422 = vector.broadcast %ne3A_421 : i32 to vector<16xi32>
      %ne3A_423 = arith.cmpi ne, %rem3A_420, %ne3A_422 : vector<16xi32>
      %and3A_424 = arith.andi %ne3A_418, %ne3A_423 : vector<16xi1>
      %sub3A_425 = arith.constant 1 : i32
      %sub3A_426 = vector.broadcast %sub3A_425 : i32 to vector<16xi32>
      %sub3A_427 = arith.subi %div3A_400, %sub3A_426 : vector<16xi32>
      %select_n3A_428 = arith.select %and3A_424, %sub3A_427, %div3A_400 : vector<16xi1>, vector<16xi32>
      %gather3A_429 = tpu.vector_load_idx %arg6[%select_n3A_428] : memref<512xi32, #tpu.memory_space<vmem>>[vector<16xi32>], vector<16xi32>,
      %mul3A_430 = arith.constant 6 : i32
      %mul3A_431 = vector.broadcast %mul3A_430 : i32 to vector<16xi32>
      %mul3A_432 = arith.muli %gather3A_429, %mul3A_431 : vector<16xi32>
      %mul3A_433 = arith.constant 6 : i32
      %mul3A_434 = vector.broadcast %mul3A_433 : i32 to vector<16xi32>
      %mul3A_435 = arith.muli %select_n3A_428, %mul3A_434 : vector<16xi32>
      %sub3A_436 = arith.subi %add3A_397, %mul3A_435 : vector<16xi32>
      %add3A_437 = arith.addi %mul3A_432, %sub3A_436 : vector<16xi32>
      %mul3A_438 = arith.constant 16 : i32
      %mul3A_439 = arith.muli %scan3A_393, %mul3A_438 : i32
      %swap3A_440 = arith.index_cast %mul3A_439 : i32 to index
      %swap3A_441 = tpu.vector_load %arg7[%swap3A_440] {strides = array<i32>} : memref<3072xi32, #tpu.memory_space<vmem>>, vector<16xi32>,
      tpu.vector_store %arg7[%swap3A_440], %add3A_437 {strides = array<i32>} : memref<3072xi32, #tpu.memory_space<vmem>>, vector<16xi32>,
      %scan3A_442 = arith.constant 3 : i32
      %scan3A_443 = arith.addi %scan3A_303, %scan3A_442 : i32
      %mul3A_444 = arith.constant 16 : i32
      %mul3A_445 = arith.muli %scan3A_443, %mul3A_444 : i32
      %add3A_446 = vector.broadcast %mul3A_445 : i32 to vector<16xi32>
      %add3A_447 = arith.addi %add3A_446, %iota3A : vector<16xi32>
      %jit3A_448 = arith.constant 6 : i32
      %div3A_449 = vector.broadcast %jit3A_448 : i32 to vector<16xi32>
      %div3A_450 = arith.divsi %add3A_447, %div3A_449 : vector<16xi32>
      %sign3A_451 = arith.constant 0 : i32
      %sign3A_452 = vector.broadcast %sign3A_451 : i32 to vector<16xi32>
      %sign3A_453 = arith.cmpi sgt, %add3A_447, %sign3A_452 : vector<16xi32>
      %sign3A_454 = arith.extui %sign3A_453 : vector<16xi1> to vector<16xi32>
      %sign3A_455 = arith.constant 0 : i32
      %sign3A_456 = vector.broadcast %sign3A_455 : i32 to vector<16xi32>
      %sign3A_457 = arith.cmpi slt, %add3A_447, %sign3A_456 : vector<16xi32>
      %sign3A_458 = arith.extui %sign3A_457 : vector<16xi1> to vector<16xi32>
      %sign3A_459 = arith.subi %sign3A_454, %sign3A_458 : vector<16xi32>
      %sign3A_460 = arith.constant 0 : i32
      %sign3A_461 = arith.cmpi sgt, %jit3A_448, %sign3A_460 : i32
      %sign3A_462 = arith.extui %sign3A_461 : i1 to i32
      %sign3A_463 = arith.constant 0 : i32
      %sign3A_464 = arith.cmpi slt, %jit3A_448, %sign3A_463 : i32
      %sign3A_465 = arith.extui %sign3A_464 : i1 to i32
      %sign3A_466 = arith.subi %sign3A_462, %sign3A_465 : i32
      %ne3A_467 = vector.broadcast %sign3A_466 : i32 to vector<16xi32>
      %ne3A_468 = arith.cmpi ne, %sign3A_459, %ne3A_467 : vector<16xi32>
      %rem3A_469 = vector.broadcast %jit3A_448 : i32 to vector<16xi32>
      %rem3A_470 = arith.remsi %add3A_447, %rem3A_469 : vector<16xi32>
      %ne3A_471 = arith.constant 0 : i32
      %ne3A_472 = vector.broadcast %ne3A_471 : i32 to vector<16xi32>
      %ne3A_473 = arith.cmpi ne, %rem3A_470, %ne3A_472 : vector<16xi32>
      %and3A_474 = arith.andi %ne3A_468, %ne3A_473 : vector<16xi1>
      %sub3A_475 = arith.constant 1 : i32
      %sub3A_476 = vector.broadcast %sub3A_475 : i32 to vector<16xi32>
      %sub3A_477 = arith.subi %div3A_450, %sub3A_476 : vector<16xi32>
      %select_n3A_478 = arith.select %and3A_474, %sub3A_477, %div3A_450 : vector<16xi1>, vector<16xi32>
      %gather3A_479 = tpu.vector_load_idx %arg6[%select_n3A_478] : memref<512xi32, #tpu.memory_space<vmem>>[vector<16xi32>], vector<16xi32>,
      %mul3A_480 = arith.constant 6 : i32
      %mul3A_481 = vector.broadcast %mul3A_480 : i32 to vector<16xi32>
      %mul3A_482 = arith.muli %gather3A_479, %mul3A_481 : vector<16xi32>
      %mul3A_483 = arith.constant 6 : i32
      %mul3A_484 = vector.broadcast %mul3A_483 : i32 to vector<16xi32>
      %mul3A_485 = arith.muli %select_n3A_478, %mul3A_484 : vector<16xi32>
      %sub3A_486 = arith.subi %add3A_447, %mul3A_485 : vector<16xi32>
      %add3A_487 = arith.addi %mul3A_482, %sub3A_486 : vector<16xi32>
      %mul3A_488 = arith.constant 16 : i32
      %mul3A_489 = arith.muli %scan3A_443, %mul3A_488 : i32
      %swap3A_490 = arith.index_cast %mul3A_489 : i32 to index
      %swap3A_491 = tpu.vector_load %arg7[%swap3A_490] {strides = array<i32>} : memref<3072xi32, #tpu.memory_space<vmem>>, vector<16xi32>,
      tpu.vector_store %arg7[%swap3A_490], %add3A_487 {strides = array<i32>} : memref<3072xi32, #tpu.memory_space<vmem>>, vector<16xi32>,
    }
    %scan3A_11 = arith.constant 192 : i32
    %dma_start3A = arith.constant 0 : i32
    %dma_start3A_12 = tpu.memref_slice %arg8[%dma_start3A] : memref<3072xf32, #tpu.memory_space<vmem>> -> memref<128xf32, #tpu.memory_space<vmem>>
    %dma_start3A_13 = arith.constant 0 : i32
    %dma_start3A_14 = tpu.memref_slice %arg7[%dma_start3A_13] : memref<3072xi32, #tpu.memory_space<vmem>> -> memref<128xi32, #tpu.memory_space<vmem>>
    %dma_start3A_15 = arith.constant 0 : i32
    %dma_start3A_16 = tpu.memref_slice %arg3[%dma_start3A_15] : memref<6000000xf32, #tpu.memory_space<hbm>> -> memref<6000000xf32, #tpu.memory_space<hbm>>
    tpu.enqueue_indirect_dma source(%dma_start3A_16 : memref<6000000xf32, #tpu.memory_space<hbm>>) target(%dma_start3A_12 : memref<128xf32, #tpu.memory_space<vmem>>) offsets(%dma_start3A_14 : memref<128xi32, #tpu.memory_space<vmem>>) semaphore(%arg10 : memref<!tpu.dma_semaphore, #tpu.memory_space<semaphore_mem>>)
    %dma_start3A_17 = arith.constant 128 : i32
    %dma_start3A_18 = tpu.memref_slice %arg8[%dma_start3A_17] : memref<3072xf32, #tpu.memory_space<vmem>> -> memref<128xf32, #tpu.memory_space<vmem>>
    %dma_start3A_19 = arith.constant 128 : i32
    %dma_start3A_20 = tpu.memref_slice %arg7[%dma_start3A_19] : memref<3072xi32, #tpu.memory_space<vmem>> -> memref<128xi32, #tpu.memory_space<vmem>>
    %dma_start3A_21 = arith.constant 0 : i32
    %dma_start3A_22 = tpu.memref_slice %arg3[%dma_start3A_21] : memref<6000000xf32, #tpu.memory_space<hbm>> -> memref<6000000xf32, #tpu.memory_space<hbm>>
    tpu.enqueue_indirect_dma source(%dma_start3A_22 : memref<6000000xf32, #tpu.memory_space<hbm>>) target(%dma_start3A_18 : memref<128xf32, #tpu.memory_space<vmem>>) offsets(%dma_start3A_20 : memref<128xi32, #tpu.memory_space<vmem>>) semaphore(%arg10 : memref<!tpu.dma_semaphore, #tpu.memory_space<semaphore_mem>>)
    %dma_start3A_23 = arith.constant 256 : i32
    %dma_start3A_24 = tpu.memref_slice %arg8[%dma_start3A_23] : memref<3072xf32, #tpu.memory_space<vmem>> -> memref<128xf32, #tpu.memory_space<vmem>>
    %dma_start3A_25 = arith.constant 256 : i32
    %dma_start3A_26 = tpu.memref_slice %arg7[%dma_start3A_25] : memref<3072xi32, #tpu.memory_space<vmem>> -> memref<128xi32, #tpu.memory_space<vmem>>
    %dma_start3A_27 = arith.constant 0 : i32
    %dma_start3A_28 = tpu.memref_slice %arg3[%dma_start3A_27] : memref<6000000xf32, #tpu.memory_space<hbm>> -> memref<6000000xf32, #tpu.memory_space<hbm>>
    tpu.enqueue_indirect_dma source(%dma_start3A_28 : memref<6000000xf32, #tpu.memory_space<hbm>>) target(%dma_start3A_24 : memref<128xf32, #tpu.memory_space<vmem>>) offsets(%dma_start3A_26 : memref<128xi32, #tpu.memory_space<vmem>>) semaphore(%arg10 : memref<!tpu.dma_semaphore, #tpu.memory_space<semaphore_mem>>)
    %dma_start3A_29 = arith.constant 384 : i32
    %dma_start3A_30 = tpu.memref_slice %arg8[%dma_start3A_29] : memref<3072xf32, #tpu.memory_space<vmem>> -> memref<128xf32, #tpu.memory_space<vmem>>
    %dma_start3A_31 = arith.constant 384 : i32
    %dma_start3A_32 = tpu.memref_slice %arg7[%dma_start3A_31] : memref<3072xi32, #tpu.memory_space<vmem>> -> memref<128xi32, #tpu.memory_space<vmem>>
    %dma_start3A_33 = arith.constant 0 : i32
    %dma_start3A_34 = tpu.memref_slice %arg3[%dma_start3A_33] : memref<6000000xf32, #tpu.memory_space<hbm>> -> memref<6000000xf32, #tpu.memory_space<hbm>>
    tpu.enqueue_indirect_dma source(%dma_start3A_34 : memref<6000000xf32, #tpu.memory_space<hbm>>) target(%dma_start3A_30 : memref<128xf32, #tpu.memory_space<vmem>>) offsets(%dma_start3A_32 : memref<128xi32, #tpu.memory_space<vmem>>) semaphore(%arg10 : memref<!tpu.dma_semaphore, #tpu.memory_space<semaphore_mem>>)
    %dma_start3A_35 = arith.constant 512 : i32
    %dma_start3A_36 = tpu.memref_slice %arg8[%dma_start3A_35] : memref<3072xf32, #tpu.memory_space<vmem>> -> memref<128xf32, #tpu.memory_space<vmem>>
    %dma_start3A_37 = arith.constant 512 : i32
    %dma_start3A_38 = tpu.memref_slice %arg7[%dma_start3A_37] : memref<3072xi32, #tpu.memory_space<vmem>> -> memref<128xi32, #tpu.memory_space<vmem>>
    %dma_start3A_39 = arith.constant 0 : i32
    %dma_start3A_40 = tpu.memref_slice %arg3[%dma_start3A_39] : memref<6000000xf32, #tpu.memory_space<hbm>> -> memref<6000000xf32, #tpu.memory_space<hbm>>
    tpu.enqueue_indirect_dma source(%dma_start3A_40 : memref<6000000xf32, #tpu.memory_space<hbm>>) target(%dma_start3A_36 : memref<128xf32, #tpu.memory_space<vmem>>) offsets(%dma_start3A_38 : memref<128xi32, #tpu.memory_space<vmem>>) semaphore(%arg10 : memref<!tpu.dma_semaphore, #tpu.memory_space<semaphore_mem>>)
    %dma_start3A_41 = arith.constant 640 : i32
    %dma_start3A_42 = tpu.memref_slice %arg8[%dma_start3A_41] : memref<3072xf32, #tpu.memory_space<vmem>> -> memref<128xf32, #tpu.memory_space<vmem>>
    %dma_start3A_43 = arith.constant 640 : i32
    %dma_start3A_44 = tpu.memref_slice %arg7[%dma_start3A_43] : memref<3072xi32, #tpu.memory_space<vmem>> -> memref<128xi32, #tpu.memory_space<vmem>>
    %dma_start3A_45 = arith.constant 0 : i32
    %dma_start3A_46 = tpu.memref_slice %arg3[%dma_start3A_45] : memref<6000000xf32, #tpu.memory_space<hbm>> -> memref<6000000xf32, #tpu.memory_space<hbm>>
    tpu.enqueue_indirect_dma source(%dma_start3A_46 : memref<6000000xf32, #tpu.memory_space<hbm>>) target(%dma_start3A_42 : memref<128xf32, #tpu.memory_space<vmem>>) offsets(%dma_start3A_44 : memref<128xi32, #tpu.memory_space<vmem>>) semaphore(%arg10 : memref<!tpu.dma_semaphore, #tpu.memory_space<semaphore_mem>>)
    %dma_start3A_47 = arith.constant 768 : i32
    %dma_start3A_48 = tpu.memref_slice %arg8[%dma_start3A_47] : memref<3072xf32, #tpu.memory_space<vmem>> -> memref<128xf32, #tpu.memory_space<vmem>>
    %dma_start3A_49 = arith.constant 768 : i32
    %dma_start3A_50 = tpu.memref_slice %arg7[%dma_start3A_49] : memref<3072xi32, #tpu.memory_space<vmem>> -> memref<128xi32, #tpu.memory_space<vmem>>
    %dma_start3A_51 = arith.constant 0 : i32
    %dma_start3A_52 = tpu.memref_slice %arg3[%dma_start3A_51] : memref<6000000xf32, #tpu.memory_space<hbm>> -> memref<6000000xf32, #tpu.memory_space<hbm>>
    tpu.enqueue_indirect_dma source(%dma_start3A_52 : memref<6000000xf32, #tpu.memory_space<hbm>>) target(%dma_start3A_48 : memref<128xf32, #tpu.memory_space<vmem>>) offsets(%dma_start3A_50 : memref<128xi32, #tpu.memory_space<vmem>>) semaphore(%arg10 : memref<!tpu.dma_semaphore, #tpu.memory_space<semaphore_mem>>)
    %dma_start3A_53 = arith.constant 896 : i32
    %dma_start3A_54 = tpu.memref_slice %arg8[%dma_start3A_53] : memref<3072xf32, #tpu.memory_space<vmem>> -> memref<128xf32, #tpu.memory_space<vmem>>
    %dma_start3A_55 = arith.constant 896 : i32
    %dma_start3A_56 = tpu.memref_slice %arg7[%dma_start3A_55] : memref<3072xi32, #tpu.memory_space<vmem>> -> memref<128xi32, #tpu.memory_space<vmem>>
    %dma_start3A_57 = arith.constant 0 : i32
    %dma_start3A_58 = tpu.memref_slice %arg3[%dma_start3A_57] : memref<6000000xf32, #tpu.memory_space<hbm>> -> memref<6000000xf32, #tpu.memory_space<hbm>>
    tpu.enqueue_indirect_dma source(%dma_start3A_58 : memref<6000000xf32, #tpu.memory_space<hbm>>) target(%dma_start3A_54 : memref<128xf32, #tpu.memory_space<vmem>>) offsets(%dma_start3A_56 : memref<128xi32, #tpu.memory_space<vmem>>) semaphore(%arg10 : memref<!tpu.dma_semaphore, #tpu.memory_space<semaphore_mem>>)
    %dma_start3A_59 = arith.constant 1024 : i32
    %dma_start3A_60 = tpu.memref_slice %arg8[%dma_start3A_59] : memref<3072xf32, #tpu.memory_space<vmem>> -> memref<128xf32, #tpu.memory_space<vmem>>
    %dma_start3A_61 = arith.constant 1024 : i32
    %dma_start3A_62 = tpu.memref_slice %arg7[%dma_start3A_61] : memref<3072xi32, #tpu.memory_space<vmem>> -> memref<128xi32, #tpu.memory_space<vmem>>
    %dma_start3A_63 = arith.constant 0 : i32
    %dma_start3A_64 = tpu.memref_slice %arg3[%dma_start3A_63] : memref<6000000xf32, #tpu.memory_space<hbm>> -> memref<6000000xf32, #tpu.memory_space<hbm>>
    tpu.enqueue_indirect_dma source(%dma_start3A_64 : memref<6000000xf32, #tpu.memory_space<hbm>>) target(%dma_start3A_60 : memref<128xf32, #tpu.memory_space<vmem>>) offsets(%dma_start3A_62 : memref<128xi32, #tpu.memory_space<vmem>>) semaphore(%arg10 : memref<!tpu.dma_semaphore, #tpu.memory_space<semaphore_mem>>)
    %dma_start3A_65 = arith.constant 1152 : i32
    %dma_start3A_66 = tpu.memref_slice %arg8[%dma_start3A_65] : memref<3072xf32, #tpu.memory_space<vmem>> -> memref<128xf32, #tpu.memory_space<vmem>>
    %dma_start3A_67 = arith.constant 1152 : i32
    %dma_start3A_68 = tpu.memref_slice %arg7[%dma_start3A_67] : memref<3072xi32, #tpu.memory_space<vmem>> -> memref<128xi32, #tpu.memory_space<vmem>>
    %dma_start3A_69 = arith.constant 0 : i32
    %dma_start3A_70 = tpu.memref_slice %arg3[%dma_start3A_69] : memref<6000000xf32, #tpu.memory_space<hbm>> -> memref<6000000xf32, #tpu.memory_space<hbm>>
    tpu.enqueue_indirect_dma source(%dma_start3A_70 : memref<6000000xf32, #tpu.memory_space<hbm>>) target(%dma_start3A_66 : memref<128xf32, #tpu.memory_space<vmem>>) offsets(%dma_start3A_68 : memref<128xi32, #tpu.memory_space<vmem>>) semaphore(%arg10 : memref<!tpu.dma_semaphore, #tpu.memory_space<semaphore_mem>>)
    %dma_start3A_71 = arith.constant 1280 : i32
    %dma_start3A_72 = tpu.memref_slice %arg8[%dma_start3A_71] : memref<3072xf32, #tpu.memory_space<vmem>> -> memref<128xf32, #tpu.memory_space<vmem>>
    %dma_start3A_73 = arith.constant 1280 : i32
    %dma_start3A_74 = tpu.memref_slice %arg7[%dma_start3A_73] : memref<3072xi32, #tpu.memory_space<vmem>> -> memref<128xi32, #tpu.memory_space<vmem>>
    %dma_start3A_75 = arith.constant 0 : i32
    %dma_start3A_76 = tpu.memref_slice %arg3[%dma_start3A_75] : memref<6000000xf32, #tpu.memory_space<hbm>> -> memref<6000000xf32, #tpu.memory_space<hbm>>
    tpu.enqueue_indirect_dma source(%dma_start3A_76 : memref<6000000xf32, #tpu.memory_space<hbm>>) target(%dma_start3A_72 : memref<128xf32, #tpu.memory_space<vmem>>) offsets(%dma_start3A_74 : memref<128xi32, #tpu.memory_space<vmem>>) semaphore(%arg10 : memref<!tpu.dma_semaphore, #tpu.memory_space<semaphore_mem>>)
    %dma_start3A_77 = arith.constant 1408 : i32
    %dma_start3A_78 = tpu.memref_slice %arg8[%dma_start3A_77] : memref<3072xf32, #tpu.memory_space<vmem>> -> memref<128xf32, #tpu.memory_space<vmem>>
    %dma_start3A_79 = arith.constant 1408 : i32
    %dma_start3A_80 = tpu.memref_slice %arg7[%dma_start3A_79] : memref<3072xi32, #tpu.memory_space<vmem>> -> memref<128xi32, #tpu.memory_space<vmem>>
    %dma_start3A_81 = arith.constant 0 : i32
    %dma_start3A_82 = tpu.memref_slice %arg3[%dma_start3A_81] : memref<6000000xf32, #tpu.memory_space<hbm>> -> memref<6000000xf32, #tpu.memory_space<hbm>>
    tpu.enqueue_indirect_dma source(%dma_start3A_82 : memref<6000000xf32, #tpu.memory_space<hbm>>) target(%dma_start3A_78 : memref<128xf32, #tpu.memory_space<vmem>>) offsets(%dma_start3A_80 : memref<128xi32, #tpu.memory_space<vmem>>) semaphore(%arg10 : memref<!tpu.dma_semaphore, #tpu.memory_space<semaphore_mem>>)
    %dma_start3A_83 = arith.constant 1536 : i32
    %dma_start3A_84 = tpu.memref_slice %arg8[%dma_start3A_83] : memref<3072xf32, #tpu.memory_space<vmem>> -> memref<128xf32, #tpu.memory_space<vmem>>
    %dma_start3A_85 = arith.constant 1536 : i32
    %dma_start3A_86 = tpu.memref_slice %arg7[%dma_start3A_85] : memref<3072xi32, #tpu.memory_space<vmem>> -> memref<128xi32, #tpu.memory_space<vmem>>
    %dma_start3A_87 = arith.constant 0 : i32
    %dma_start3A_88 = tpu.memref_slice %arg3[%dma_start3A_87] : memref<6000000xf32, #tpu.memory_space<hbm>> -> memref<6000000xf32, #tpu.memory_space<hbm>>
    tpu.enqueue_indirect_dma source(%dma_start3A_88 : memref<6000000xf32, #tpu.memory_space<hbm>>) target(%dma_start3A_84 : memref<128xf32, #tpu.memory_space<vmem>>) offsets(%dma_start3A_86 : memref<128xi32, #tpu.memory_space<vmem>>) semaphore(%arg10 : memref<!tpu.dma_semaphore, #tpu.memory_space<semaphore_mem>>)
    %dma_start3A_89 = arith.constant 1664 : i32
    %dma_start3A_90 = tpu.memref_slice %arg8[%dma_start3A_89] : memref<3072xf32, #tpu.memory_space<vmem>> -> memref<128xf32, #tpu.memory_space<vmem>>
    %dma_start3A_91 = arith.constant 1664 : i32
    %dma_start3A_92 = tpu.memref_slice %arg7[%dma_start3A_91] : memref<3072xi32, #tpu.memory_space<vmem>> -> memref<128xi32, #tpu.memory_space<vmem>>
    %dma_start3A_93 = arith.constant 0 : i32
    %dma_start3A_94 = tpu.memref_slice %arg3[%dma_start3A_93] : memref<6000000xf32, #tpu.memory_space<hbm>> -> memref<6000000xf32, #tpu.memory_space<hbm>>
    tpu.enqueue_indirect_dma source(%dma_start3A_94 : memref<6000000xf32, #tpu.memory_space<hbm>>) target(%dma_start3A_90 : memref<128xf32, #tpu.memory_space<vmem>>) offsets(%dma_start3A_92 : memref<128xi32, #tpu.memory_space<vmem>>) semaphore(%arg10 : memref<!tpu.dma_semaphore, #tpu.memory_space<semaphore_mem>>)
    %dma_start3A_95 = arith.constant 1792 : i32
    %dma_start3A_96 = tpu.memref_slice %arg8[%dma_start3A_95] : memref<3072xf32, #tpu.memory_space<vmem>> -> memref<128xf32, #tpu.memory_space<vmem>>
    %dma_start3A_97 = arith.constant 1792 : i32
    %dma_start3A_98 = tpu.memref_slice %arg7[%dma_start3A_97] : memref<3072xi32, #tpu.memory_space<vmem>> -> memref<128xi32, #tpu.memory_space<vmem>>
    %dma_start3A_99 = arith.constant 0 : i32
    %dma_start3A_100 = tpu.memref_slice %arg3[%dma_start3A_99] : memref<6000000xf32, #tpu.memory_space<hbm>> -> memref<6000000xf32, #tpu.memory_space<hbm>>
    tpu.enqueue_indirect_dma source(%dma_start3A_100 : memref<6000000xf32, #tpu.memory_space<hbm>>) target(%dma_start3A_96 : memref<128xf32, #tpu.memory_space<vmem>>) offsets(%dma_start3A_98 : memref<128xi32, #tpu.memory_space<vmem>>) semaphore(%arg10 : memref<!tpu.dma_semaphore, #tpu.memory_space<semaphore_mem>>)
    %dma_start3A_101 = arith.constant 1920 : i32
    %dma_start3A_102 = tpu.memref_slice %arg8[%dma_start3A_101] : memref<3072xf32, #tpu.memory_space<vmem>> -> memref<128xf32, #tpu.memory_space<vmem>>
    %dma_start3A_103 = arith.constant 1920 : i32
    %dma_start3A_104 = tpu.memref_slice %arg7[%dma_start3A_103] : memref<3072xi32, #tpu.memory_space<vmem>> -> memref<128xi32, #tpu.memory_space<vmem>>
    %dma_start3A_105 = arith.constant 0 : i32
    %dma_start3A_106 = tpu.memref_slice %arg3[%dma_start3A_105] : memref<6000000xf32, #tpu.memory_space<hbm>> -> memref<6000000xf32, #tpu.memory_space<hbm>>
    tpu.enqueue_indirect_dma source(%dma_start3A_106 : memref<6000000xf32, #tpu.memory_space<hbm>>) target(%dma_start3A_102 : memref<128xf32, #tpu.memory_space<vmem>>) offsets(%dma_start3A_104 : memref<128xi32, #tpu.memory_space<vmem>>) semaphore(%arg10 : memref<!tpu.dma_semaphore, #tpu.memory_space<semaphore_mem>>)
    %dma_start3A_107 = arith.constant 2048 : i32
    %dma_start3A_108 = tpu.memref_slice %arg8[%dma_start3A_107] : memref<3072xf32, #tpu.memory_space<vmem>> -> memref<128xf32, #tpu.memory_space<vmem>>
    %dma_start3A_109 = arith.constant 2048 : i32
    %dma_start3A_110 = tpu.memref_slice %arg7[%dma_start3A_109] : memref<3072xi32, #tpu.memory_space<vmem>> -> memref<128xi32, #tpu.memory_space<vmem>>
    %dma_start3A_111 = arith.constant 0 : i32
    %dma_start3A_112 = tpu.memref_slice %arg3[%dma_start3A_111] : memref<6000000xf32, #tpu.memory_space<hbm>> -> memref<6000000xf32, #tpu.memory_space<hbm>>
    tpu.enqueue_indirect_dma source(%dma_start3A_112 : memref<6000000xf32, #tpu.memory_space<hbm>>) target(%dma_start3A_108 : memref<128xf32, #tpu.memory_space<vmem>>) offsets(%dma_start3A_110 : memref<128xi32, #tpu.memory_space<vmem>>) semaphore(%arg10 : memref<!tpu.dma_semaphore, #tpu.memory_space<semaphore_mem>>)
    %dma_start3A_113 = arith.constant 2176 : i32
    %dma_start3A_114 = tpu.memref_slice %arg8[%dma_start3A_113] : memref<3072xf32, #tpu.memory_space<vmem>> -> memref<128xf32, #tpu.memory_space<vmem>>
    %dma_start3A_115 = arith.constant 2176 : i32
    %dma_start3A_116 = tpu.memref_slice %arg7[%dma_start3A_115] : memref<3072xi32, #tpu.memory_space<vmem>> -> memref<128xi32, #tpu.memory_space<vmem>>
    %dma_start3A_117 = arith.constant 0 : i32
    %dma_start3A_118 = tpu.memref_slice %arg3[%dma_start3A_117] : memref<6000000xf32, #tpu.memory_space<hbm>> -> memref<6000000xf32, #tpu.memory_space<hbm>>
    tpu.enqueue_indirect_dma source(%dma_start3A_118 : memref<6000000xf32, #tpu.memory_space<hbm>>) target(%dma_start3A_114 : memref<128xf32, #tpu.memory_space<vmem>>) offsets(%dma_start3A_116 : memref<128xi32, #tpu.memory_space<vmem>>) semaphore(%arg10 : memref<!tpu.dma_semaphore, #tpu.memory_space<semaphore_mem>>)
    %dma_start3A_119 = arith.constant 2304 : i32
    %dma_start3A_120 = tpu.memref_slice %arg8[%dma_start3A_119] : memref<3072xf32, #tpu.memory_space<vmem>> -> memref<128xf32, #tpu.memory_space<vmem>>
    %dma_start3A_121 = arith.constant 2304 : i32
    %dma_start3A_122 = tpu.memref_slice %arg7[%dma_start3A_121] : memref<3072xi32, #tpu.memory_space<vmem>> -> memref<128xi32, #tpu.memory_space<vmem>>
    %dma_start3A_123 = arith.constant 0 : i32
    %dma_start3A_124 = tpu.memref_slice %arg3[%dma_start3A_123] : memref<6000000xf32, #tpu.memory_space<hbm>> -> memref<6000000xf32, #tpu.memory_space<hbm>>
    tpu.enqueue_indirect_dma source(%dma_start3A_124 : memref<6000000xf32, #tpu.memory_space<hbm>>) target(%dma_start3A_120 : memref<128xf32, #tpu.memory_space<vmem>>) offsets(%dma_start3A_122 : memref<128xi32, #tpu.memory_space<vmem>>) semaphore(%arg10 : memref<!tpu.dma_semaphore, #tpu.memory_space<semaphore_mem>>)
    %dma_start3A_125 = arith.constant 2432 : i32
    %dma_start3A_126 = tpu.memref_slice %arg8[%dma_start3A_125] : memref<3072xf32, #tpu.memory_space<vmem>> -> memref<128xf32, #tpu.memory_space<vmem>>
    %dma_start3A_127 = arith.constant 2432 : i32
    %dma_start3A_128 = tpu.memref_slice %arg7[%dma_start3A_127] : memref<3072xi32, #tpu.memory_space<vmem>> -> memref<128xi32, #tpu.memory_space<vmem>>
    %dma_start3A_129 = arith.constant 0 : i32
    %dma_start3A_130 = tpu.memref_slice %arg3[%dma_start3A_129] : memref<6000000xf32, #tpu.memory_space<hbm>> -> memref<6000000xf32, #tpu.memory_space<hbm>>
    tpu.enqueue_indirect_dma source(%dma_start3A_130 : memref<6000000xf32, #tpu.memory_space<hbm>>) target(%dma_start3A_126 : memref<128xf32, #tpu.memory_space<vmem>>) offsets(%dma_start3A_128 : memref<128xi32, #tpu.memory_space<vmem>>) semaphore(%arg10 : memref<!tpu.dma_semaphore, #tpu.memory_space<semaphore_mem>>)
    %dma_start3A_131 = arith.constant 2560 : i32
    %dma_start3A_132 = tpu.memref_slice %arg8[%dma_start3A_131] : memref<3072xf32, #tpu.memory_space<vmem>> -> memref<128xf32, #tpu.memory_space<vmem>>
    %dma_start3A_133 = arith.constant 2560 : i32
    %dma_start3A_134 = tpu.memref_slice %arg7[%dma_start3A_133] : memref<3072xi32, #tpu.memory_space<vmem>> -> memref<128xi32, #tpu.memory_space<vmem>>
    %dma_start3A_135 = arith.constant 0 : i32
    %dma_start3A_136 = tpu.memref_slice %arg3[%dma_start3A_135] : memref<6000000xf32, #tpu.memory_space<hbm>> -> memref<6000000xf32, #tpu.memory_space<hbm>>
    tpu.enqueue_indirect_dma source(%dma_start3A_136 : memref<6000000xf32, #tpu.memory_space<hbm>>) target(%dma_start3A_132 : memref<128xf32, #tpu.memory_space<vmem>>) offsets(%dma_start3A_134 : memref<128xi32, #tpu.memory_space<vmem>>) semaphore(%arg10 : memref<!tpu.dma_semaphore, #tpu.memory_space<semaphore_mem>>)
    %dma_start3A_137 = arith.constant 2688 : i32
    %dma_start3A_138 = tpu.memref_slice %arg8[%dma_start3A_137] : memref<3072xf32, #tpu.memory_space<vmem>> -> memref<128xf32, #tpu.memory_space<vmem>>
    %dma_start3A_139 = arith.constant 2688 : i32
    %dma_start3A_140 = tpu.memref_slice %arg7[%dma_start3A_139] : memref<3072xi32, #tpu.memory_space<vmem>> -> memref<128xi32, #tpu.memory_space<vmem>>
    %dma_start3A_141 = arith.constant 0 : i32
    %dma_start3A_142 = tpu.memref_slice %arg3[%dma_start3A_141] : memref<6000000xf32, #tpu.memory_space<hbm>> -> memref<6000000xf32, #tpu.memory_space<hbm>>
    tpu.enqueue_indirect_dma source(%dma_start3A_142 : memref<6000000xf32, #tpu.memory_space<hbm>>) target(%dma_start3A_138 : memref<128xf32, #tpu.memory_space<vmem>>) offsets(%dma_start3A_140 : memref<128xi32, #tpu.memory_space<vmem>>) semaphore(%arg10 : memref<!tpu.dma_semaphore, #tpu.memory_space<semaphore_mem>>)
    %dma_start3A_143 = arith.constant 2816 : i32
    %dma_start3A_144 = tpu.memref_slice %arg8[%dma_start3A_143] : memref<3072xf32, #tpu.memory_space<vmem>> -> memref<128xf32, #tpu.memory_space<vmem>>
    %dma_start3A_145 = arith.constant 2816 : i32
    %dma_start3A_146 = tpu.memref_slice %arg7[%dma_start3A_145] : memref<3072xi32, #tpu.memory_space<vmem>> -> memref<128xi32, #tpu.memory_space<vmem>>
    %dma_start3A_147 = arith.constant 0 : i32
    %dma_start3A_148 = tpu.memref_slice %arg3[%dma_start3A_147] : memref<6000000xf32, #tpu.memory_space<hbm>> -> memref<6000000xf32, #tpu.memory_space<hbm>>
    tpu.enqueue_indirect_dma source(%dma_start3A_148 : memref<6000000xf32, #tpu.memory_space<hbm>>) target(%dma_start3A_144 : memref<128xf32, #tpu.memory_space<vmem>>) offsets(%dma_start3A_146 : memref<128xi32, #tpu.memory_space<vmem>>) semaphore(%arg10 : memref<!tpu.dma_semaphore, #tpu.memory_space<semaphore_mem>>)
    %dma_start3A_149 = arith.constant 2944 : i32
    %dma_start3A_150 = tpu.memref_slice %arg8[%dma_start3A_149] : memref<3072xf32, #tpu.memory_space<vmem>> -> memref<128xf32, #tpu.memory_space<vmem>>
    %dma_start3A_151 = arith.constant 2944 : i32
    %dma_start3A_152 = tpu.memref_slice %arg7[%dma_start3A_151] : memref<3072xi32, #tpu.memory_space<vmem>> -> memref<128xi32, #tpu.memory_space<vmem>>
    %dma_start3A_153 = arith.constant 0 : i32
    %dma_start3A_154 = tpu.memref_slice %arg3[%dma_start3A_153] : memref<6000000xf32, #tpu.memory_space<hbm>> -> memref<6000000xf32, #tpu.memory_space<hbm>>
    tpu.enqueue_indirect_dma source(%dma_start3A_154 : memref<6000000xf32, #tpu.memory_space<hbm>>) target(%dma_start3A_150 : memref<128xf32, #tpu.memory_space<vmem>>) offsets(%dma_start3A_152 : memref<128xi32, #tpu.memory_space<vmem>>) semaphore(%arg10 : memref<!tpu.dma_semaphore, #tpu.memory_space<semaphore_mem>>)
    %dma_wait3A = arith.constant 0 : i32
    %dma_wait3A_155 = tpu.memref_slice %arg8[%dma_wait3A] : memref<3072xf32, #tpu.memory_space<vmem>> -> memref<128xf32, #tpu.memory_space<vmem>>
    %dma_wait3A_156 = arith.constant 0 : i32
    %dma_wait3A_157 = tpu.memref_slice %arg7[%dma_wait3A_156] : memref<3072xi32, #tpu.memory_space<vmem>> -> memref<128xi32, #tpu.memory_space<vmem>>
    %dma_wait3A_158 = arith.constant 0 : i32
    %dma_wait3A_159 = tpu.memref_slice %arg3[%dma_wait3A_158] : memref<6000000xf32, #tpu.memory_space<hbm>> -> memref<6000000xf32, #tpu.memory_space<hbm>>
    tpu.wait_indirect_dma semaphore(%arg10 : memref<!tpu.dma_semaphore, #tpu.memory_space<semaphore_mem>>) src(%dma_wait3A_159 : memref<6000000xf32, #tpu.memory_space<hbm>>) dst(%dma_wait3A_155 : memref<128xf32, #tpu.memory_space<vmem>>)
    %dma_wait3A_160 = arith.constant 128 : i32
    %dma_wait3A_161 = tpu.memref_slice %arg8[%dma_wait3A_160] : memref<3072xf32, #tpu.memory_space<vmem>> -> memref<128xf32, #tpu.memory_space<vmem>>
    %dma_wait3A_162 = arith.constant 128 : i32
    %dma_wait3A_163 = tpu.memref_slice %arg7[%dma_wait3A_162] : memref<3072xi32, #tpu.memory_space<vmem>> -> memref<128xi32, #tpu.memory_space<vmem>>
    %dma_wait3A_164 = arith.constant 0 : i32
    %dma_wait3A_165 = tpu.memref_slice %arg3[%dma_wait3A_164] : memref<6000000xf32, #tpu.memory_space<hbm>> -> memref<6000000xf32, #tpu.memory_space<hbm>>
    tpu.wait_indirect_dma semaphore(%arg10 : memref<!tpu.dma_semaphore, #tpu.memory_space<semaphore_mem>>) src(%dma_wait3A_165 : memref<6000000xf32, #tpu.memory_space<hbm>>) dst(%dma_wait3A_161 : memref<128xf32, #tpu.memory_space<vmem>>)
    %dma_wait3A_166 = arith.constant 256 : i32
    %dma_wait3A_167 = tpu.memref_slice %arg8[%dma_wait3A_166] : memref<3072xf32, #tpu.memory_space<vmem>> -> memref<128xf32, #tpu.memory_space<vmem>>
    %dma_wait3A_168 = arith.constant 256 : i32
    %dma_wait3A_169 = tpu.memref_slice %arg7[%dma_wait3A_168] : memref<3072xi32, #tpu.memory_space<vmem>> -> memref<128xi32, #tpu.memory_space<vmem>>
    %dma_wait3A_170 = arith.constant 0 : i32
    %dma_wait3A_171 = tpu.memref_slice %arg3[%dma_wait3A_170] : memref<6000000xf32, #tpu.memory_space<hbm>> -> memref<6000000xf32, #tpu.memory_space<hbm>>
    tpu.wait_indirect_dma semaphore(%arg10 : memref<!tpu.dma_semaphore, #tpu.memory_space<semaphore_mem>>) src(%dma_wait3A_171 : memref<6000000xf32, #tpu.memory_space<hbm>>) dst(%dma_wait3A_167 : memref<128xf32, #tpu.memory_space<vmem>>)
    %dma_wait3A_172 = arith.constant 384 : i32
    %dma_wait3A_173 = tpu.memref_slice %arg8[%dma_wait3A_172] : memref<3072xf32, #tpu.memory_space<vmem>> -> memref<128xf32, #tpu.memory_space<vmem>>
    %dma_wait3A_174 = arith.constant 384 : i32
    %dma_wait3A_175 = tpu.memref_slice %arg7[%dma_wait3A_174] : memref<3072xi32, #tpu.memory_space<vmem>> -> memref<128xi32, #tpu.memory_space<vmem>>
    %dma_wait3A_176 = arith.constant 0 : i32
    %dma_wait3A_177 = tpu.memref_slice %arg3[%dma_wait3A_176] : memref<6000000xf32, #tpu.memory_space<hbm>> -> memref<6000000xf32, #tpu.memory_space<hbm>>
    tpu.wait_indirect_dma semaphore(%arg10 : memref<!tpu.dma_semaphore, #tpu.memory_space<semaphore_mem>>) src(%dma_wait3A_177 : memref<6000000xf32, #tpu.memory_space<hbm>>) dst(%dma_wait3A_173 : memref<128xf32, #tpu.memory_space<vmem>>)
    %dma_wait3A_178 = arith.constant 512 : i32
    %dma_wait3A_179 = tpu.memref_slice %arg8[%dma_wait3A_178] : memref<3072xf32, #tpu.memory_space<vmem>> -> memref<128xf32, #tpu.memory_space<vmem>>
    %dma_wait3A_180 = arith.constant 512 : i32
    %dma_wait3A_181 = tpu.memref_slice %arg7[%dma_wait3A_180] : memref<3072xi32, #tpu.memory_space<vmem>> -> memref<128xi32, #tpu.memory_space<vmem>>
    %dma_wait3A_182 = arith.constant 0 : i32
    %dma_wait3A_183 = tpu.memref_slice %arg3[%dma_wait3A_182] : memref<6000000xf32, #tpu.memory_space<hbm>> -> memref<6000000xf32, #tpu.memory_space<hbm>>
    tpu.wait_indirect_dma semaphore(%arg10 : memref<!tpu.dma_semaphore, #tpu.memory_space<semaphore_mem>>) src(%dma_wait3A_183 : memref<6000000xf32, #tpu.memory_space<hbm>>) dst(%dma_wait3A_179 : memref<128xf32, #tpu.memory_space<vmem>>)
    %dma_wait3A_184 = arith.constant 640 : i32
    %dma_wait3A_185 = tpu.memref_slice %arg8[%dma_wait3A_184] : memref<3072xf32, #tpu.memory_space<vmem>> -> memref<128xf32, #tpu.memory_space<vmem>>
    %dma_wait3A_186 = arith.constant 640 : i32
    %dma_wait3A_187 = tpu.memref_slice %arg7[%dma_wait3A_186] : memref<3072xi32, #tpu.memory_space<vmem>> -> memref<128xi32, #tpu.memory_space<vmem>>
    %dma_wait3A_188 = arith.constant 0 : i32
    %dma_wait3A_189 = tpu.memref_slice %arg3[%dma_wait3A_188] : memref<6000000xf32, #tpu.memory_space<hbm>> -> memref<6000000xf32, #tpu.memory_space<hbm>>
    tpu.wait_indirect_dma semaphore(%arg10 : memref<!tpu.dma_semaphore, #tpu.memory_space<semaphore_mem>>) src(%dma_wait3A_189 : memref<6000000xf32, #tpu.memory_space<hbm>>) dst(%dma_wait3A_185 : memref<128xf32, #tpu.memory_space<vmem>>)
    %dma_wait3A_190 = arith.constant 768 : i32
    %dma_wait3A_191 = tpu.memref_slice %arg8[%dma_wait3A_190] : memref<3072xf32, #tpu.memory_space<vmem>> -> memref<128xf32, #tpu.memory_space<vmem>>
    %dma_wait3A_192 = arith.constant 768 : i32
    %dma_wait3A_193 = tpu.memref_slice %arg7[%dma_wait3A_192] : memref<3072xi32, #tpu.memory_space<vmem>> -> memref<128xi32, #tpu.memory_space<vmem>>
    %dma_wait3A_194 = arith.constant 0 : i32
    %dma_wait3A_195 = tpu.memref_slice %arg3[%dma_wait3A_194] : memref<6000000xf32, #tpu.memory_space<hbm>> -> memref<6000000xf32, #tpu.memory_space<hbm>>
    tpu.wait_indirect_dma semaphore(%arg10 : memref<!tpu.dma_semaphore, #tpu.memory_space<semaphore_mem>>) src(%dma_wait3A_195 : memref<6000000xf32, #tpu.memory_space<hbm>>) dst(%dma_wait3A_191 : memref<128xf32, #tpu.memory_space<vmem>>)
    %dma_wait3A_196 = arith.constant 896 : i32
    %dma_wait3A_197 = tpu.memref_slice %arg8[%dma_wait3A_196] : memref<3072xf32, #tpu.memory_space<vmem>> -> memref<128xf32, #tpu.memory_space<vmem>>
    %dma_wait3A_198 = arith.constant 896 : i32
    %dma_wait3A_199 = tpu.memref_slice %arg7[%dma_wait3A_198] : memref<3072xi32, #tpu.memory_space<vmem>> -> memref<128xi32, #tpu.memory_space<vmem>>
    %dma_wait3A_200 = arith.constant 0 : i32
    %dma_wait3A_201 = tpu.memref_slice %arg3[%dma_wait3A_200] : memref<6000000xf32, #tpu.memory_space<hbm>> -> memref<6000000xf32, #tpu.memory_space<hbm>>
    tpu.wait_indirect_dma semaphore(%arg10 : memref<!tpu.dma_semaphore, #tpu.memory_space<semaphore_mem>>) src(%dma_wait3A_201 : memref<6000000xf32, #tpu.memory_space<hbm>>) dst(%dma_wait3A_197 : memref<128xf32, #tpu.memory_space<vmem>>)
    %dma_wait3A_202 = arith.constant 1024 : i32
    %dma_wait3A_203 = tpu.memref_slice %arg8[%dma_wait3A_202] : memref<3072xf32, #tpu.memory_space<vmem>> -> memref<128xf32, #tpu.memory_space<vmem>>
    %dma_wait3A_204 = arith.constant 1024 : i32
    %dma_wait3A_205 = tpu.memref_slice %arg7[%dma_wait3A_204] : memref<3072xi32, #tpu.memory_space<vmem>> -> memref<128xi32, #tpu.memory_space<vmem>>
    %dma_wait3A_206 = arith.constant 0 : i32
    %dma_wait3A_207 = tpu.memref_slice %arg3[%dma_wait3A_206] : memref<6000000xf32, #tpu.memory_space<hbm>> -> memref<6000000xf32, #tpu.memory_space<hbm>>
    tpu.wait_indirect_dma semaphore(%arg10 : memref<!tpu.dma_semaphore, #tpu.memory_space<semaphore_mem>>) src(%dma_wait3A_207 : memref<6000000xf32, #tpu.memory_space<hbm>>) dst(%dma_wait3A_203 : memref<128xf32, #tpu.memory_space<vmem>>)
    %dma_wait3A_208 = arith.constant 1152 : i32
    %dma_wait3A_209 = tpu.memref_slice %arg8[%dma_wait3A_208] : memref<3072xf32, #tpu.memory_space<vmem>> -> memref<128xf32, #tpu.memory_space<vmem>>
    %dma_wait3A_210 = arith.constant 1152 : i32
    %dma_wait3A_211 = tpu.memref_slice %arg7[%dma_wait3A_210] : memref<3072xi32, #tpu.memory_space<vmem>> -> memref<128xi32, #tpu.memory_space<vmem>>
    %dma_wait3A_212 = arith.constant 0 : i32
    %dma_wait3A_213 = tpu.memref_slice %arg3[%dma_wait3A_212] : memref<6000000xf32, #tpu.memory_space<hbm>> -> memref<6000000xf32, #tpu.memory_space<hbm>>
    tpu.wait_indirect_dma semaphore(%arg10 : memref<!tpu.dma_semaphore, #tpu.memory_space<semaphore_mem>>) src(%dma_wait3A_213 : memref<6000000xf32, #tpu.memory_space<hbm>>) dst(%dma_wait3A_209 : memref<128xf32, #tpu.memory_space<vmem>>)
    %dma_wait3A_214 = arith.constant 1280 : i32
    %dma_wait3A_215 = tpu.memref_slice %arg8[%dma_wait3A_214] : memref<3072xf32, #tpu.memory_space<vmem>> -> memref<128xf32, #tpu.memory_space<vmem>>
    %dma_wait3A_216 = arith.constant 1280 : i32
    %dma_wait3A_217 = tpu.memref_slice %arg7[%dma_wait3A_216] : memref<3072xi32, #tpu.memory_space<vmem>> -> memref<128xi32, #tpu.memory_space<vmem>>
    %dma_wait3A_218 = arith.constant 0 : i32
    %dma_wait3A_219 = tpu.memref_slice %arg3[%dma_wait3A_218] : memref<6000000xf32, #tpu.memory_space<hbm>> -> memref<6000000xf32, #tpu.memory_space<hbm>>
    tpu.wait_indirect_dma semaphore(%arg10 : memref<!tpu.dma_semaphore, #tpu.memory_space<semaphore_mem>>) src(%dma_wait3A_219 : memref<6000000xf32, #tpu.memory_space<hbm>>) dst(%dma_wait3A_215 : memref<128xf32, #tpu.memory_space<vmem>>)
    %dma_wait3A_220 = arith.constant 1408 : i32
    %dma_wait3A_221 = tpu.memref_slice %arg8[%dma_wait3A_220] : memref<3072xf32, #tpu.memory_space<vmem>> -> memref<128xf32, #tpu.memory_space<vmem>>
    %dma_wait3A_222 = arith.constant 1408 : i32
    %dma_wait3A_223 = tpu.memref_slice %arg7[%dma_wait3A_222] : memref<3072xi32, #tpu.memory_space<vmem>> -> memref<128xi32, #tpu.memory_space<vmem>>
    %dma_wait3A_224 = arith.constant 0 : i32
    %dma_wait3A_225 = tpu.memref_slice %arg3[%dma_wait3A_224] : memref<6000000xf32, #tpu.memory_space<hbm>> -> memref<6000000xf32, #tpu.memory_space<hbm>>
    tpu.wait_indirect_dma semaphore(%arg10 : memref<!tpu.dma_semaphore, #tpu.memory_space<semaphore_mem>>) src(%dma_wait3A_225 : memref<6000000xf32, #tpu.memory_space<hbm>>) dst(%dma_wait3A_221 : memref<128xf32, #tpu.memory_space<vmem>>)
    %dma_wait3A_226 = arith.constant 1536 : i32
    %dma_wait3A_227 = tpu.memref_slice %arg8[%dma_wait3A_226] : memref<3072xf32, #tpu.memory_space<vmem>> -> memref<128xf32, #tpu.memory_space<vmem>>
    %dma_wait3A_228 = arith.constant 1536 : i32
    %dma_wait3A_229 = tpu.memref_slice %arg7[%dma_wait3A_228] : memref<3072xi32, #tpu.memory_space<vmem>> -> memref<128xi32, #tpu.memory_space<vmem>>
    %dma_wait3A_230 = arith.constant 0 : i32
    %dma_wait3A_231 = tpu.memref_slice %arg3[%dma_wait3A_230] : memref<6000000xf32, #tpu.memory_space<hbm>> -> memref<6000000xf32, #tpu.memory_space<hbm>>
    tpu.wait_indirect_dma semaphore(%arg10 : memref<!tpu.dma_semaphore, #tpu.memory_space<semaphore_mem>>) src(%dma_wait3A_231 : memref<6000000xf32, #tpu.memory_space<hbm>>) dst(%dma_wait3A_227 : memref<128xf32, #tpu.memory_space<vmem>>)
    %dma_wait3A_232 = arith.constant 1664 : i32
    %dma_wait3A_233 = tpu.memref_slice %arg8[%dma_wait3A_232] : memref<3072xf32, #tpu.memory_space<vmem>> -> memref<128xf32, #tpu.memory_space<vmem>>
    %dma_wait3A_234 = arith.constant 1664 : i32
    %dma_wait3A_235 = tpu.memref_slice %arg7[%dma_wait3A_234] : memref<3072xi32, #tpu.memory_space<vmem>> -> memref<128xi32, #tpu.memory_space<vmem>>
    %dma_wait3A_236 = arith.constant 0 : i32
    %dma_wait3A_237 = tpu.memref_slice %arg3[%dma_wait3A_236] : memref<6000000xf32, #tpu.memory_space<hbm>> -> memref<6000000xf32, #tpu.memory_space<hbm>>
    tpu.wait_indirect_dma semaphore(%arg10 : memref<!tpu.dma_semaphore, #tpu.memory_space<semaphore_mem>>) src(%dma_wait3A_237 : memref<6000000xf32, #tpu.memory_space<hbm>>) dst(%dma_wait3A_233 : memref<128xf32, #tpu.memory_space<vmem>>)
    %dma_wait3A_238 = arith.constant 1792 : i32
    %dma_wait3A_239 = tpu.memref_slice %arg8[%dma_wait3A_238] : memref<3072xf32, #tpu.memory_space<vmem>> -> memref<128xf32, #tpu.memory_space<vmem>>
    %dma_wait3A_240 = arith.constant 1792 : i32
    %dma_wait3A_241 = tpu.memref_slice %arg7[%dma_wait3A_240] : memref<3072xi32, #tpu.memory_space<vmem>> -> memref<128xi32, #tpu.memory_space<vmem>>
    %dma_wait3A_242 = arith.constant 0 : i32
    %dma_wait3A_243 = tpu.memref_slice %arg3[%dma_wait3A_242] : memref<6000000xf32, #tpu.memory_space<hbm>> -> memref<6000000xf32, #tpu.memory_space<hbm>>
    tpu.wait_indirect_dma semaphore(%arg10 : memref<!tpu.dma_semaphore, #tpu.memory_space<semaphore_mem>>) src(%dma_wait3A_243 : memref<6000000xf32, #tpu.memory_space<hbm>>) dst(%dma_wait3A_239 : memref<128xf32, #tpu.memory_space<vmem>>)
    %dma_wait3A_244 = arith.constant 1920 : i32
    %dma_wait3A_245 = tpu.memref_slice %arg8[%dma_wait3A_244] : memref<3072xf32, #tpu.memory_space<vmem>> -> memref<128xf32, #tpu.memory_space<vmem>>
    %dma_wait3A_246 = arith.constant 1920 : i32
    %dma_wait3A_247 = tpu.memref_slice %arg7[%dma_wait3A_246] : memref<3072xi32, #tpu.memory_space<vmem>> -> memref<128xi32, #tpu.memory_space<vmem>>
    %dma_wait3A_248 = arith.constant 0 : i32
    %dma_wait3A_249 = tpu.memref_slice %arg3[%dma_wait3A_248] : memref<6000000xf32, #tpu.memory_space<hbm>> -> memref<6000000xf32, #tpu.memory_space<hbm>>
    tpu.wait_indirect_dma semaphore(%arg10 : memref<!tpu.dma_semaphore, #tpu.memory_space<semaphore_mem>>) src(%dma_wait3A_249 : memref<6000000xf32, #tpu.memory_space<hbm>>) dst(%dma_wait3A_245 : memref<128xf32, #tpu.memory_space<vmem>>)
    %dma_wait3A_250 = arith.constant 2048 : i32
    %dma_wait3A_251 = tpu.memref_slice %arg8[%dma_wait3A_250] : memref<3072xf32, #tpu.memory_space<vmem>> -> memref<128xf32, #tpu.memory_space<vmem>>
    %dma_wait3A_252 = arith.constant 2048 : i32
    %dma_wait3A_253 = tpu.memref_slice %arg7[%dma_wait3A_252] : memref<3072xi32, #tpu.memory_space<vmem>> -> memref<128xi32, #tpu.memory_space<vmem>>
    %dma_wait3A_254 = arith.constant 0 : i32
    %dma_wait3A_255 = tpu.memref_slice %arg3[%dma_wait3A_254] : memref<6000000xf32, #tpu.memory_space<hbm>> -> memref<6000000xf32, #tpu.memory_space<hbm>>
    tpu.wait_indirect_dma semaphore(%arg10 : memref<!tpu.dma_semaphore, #tpu.memory_space<semaphore_mem>>) src(%dma_wait3A_255 : memref<6000000xf32, #tpu.memory_space<hbm>>) dst(%dma_wait3A_251 : memref<128xf32, #tpu.memory_space<vmem>>)
    %dma_wait3A_256 = arith.constant 2176 : i32
    %dma_wait3A_257 = tpu.memref_slice %arg8[%dma_wait3A_256] : memref<3072xf32, #tpu.memory_space<vmem>> -> memref<128xf32, #tpu.memory_space<vmem>>
    %dma_wait3A_258 = arith.constant 2176 : i32
    %dma_wait3A_259 = tpu.memref_slice %arg7[%dma_wait3A_258] : memref<3072xi32, #tpu.memory_space<vmem>> -> memref<128xi32, #tpu.memory_space<vmem>>
    %dma_wait3A_260 = arith.constant 0 : i32
    %dma_wait3A_261 = tpu.memref_slice %arg3[%dma_wait3A_260] : memref<6000000xf32, #tpu.memory_space<hbm>> -> memref<6000000xf32, #tpu.memory_space<hbm>>
    tpu.wait_indirect_dma semaphore(%arg10 : memref<!tpu.dma_semaphore, #tpu.memory_space<semaphore_mem>>) src(%dma_wait3A_261 : memref<6000000xf32, #tpu.memory_space<hbm>>) dst(%dma_wait3A_257 : memref<128xf32, #tpu.memory_space<vmem>>)
    %dma_wait3A_262 = arith.constant 2304 : i32
    %dma_wait3A_263 = tpu.memref_slice %arg8[%dma_wait3A_262] : memref<3072xf32, #tpu.memory_space<vmem>> -> memref<128xf32, #tpu.memory_space<vmem>>
    %dma_wait3A_264 = arith.constant 2304 : i32
    %dma_wait3A_265 = tpu.memref_slice %arg7[%dma_wait3A_264] : memref<3072xi32, #tpu.memory_space<vmem>> -> memref<128xi32, #tpu.memory_space<vmem>>
    %dma_wait3A_266 = arith.constant 0 : i32
    %dma_wait3A_267 = tpu.memref_slice %arg3[%dma_wait3A_266] : memref<6000000xf32, #tpu.memory_space<hbm>> -> memref<6000000xf32, #tpu.memory_space<hbm>>
    tpu.wait_indirect_dma semaphore(%arg10 : memref<!tpu.dma_semaphore, #tpu.memory_space<semaphore_mem>>) src(%dma_wait3A_267 : memref<6000000xf32, #tpu.memory_space<hbm>>) dst(%dma_wait3A_263 : memref<128xf32, #tpu.memory_space<vmem>>)
    %dma_wait3A_268 = arith.constant 2432 : i32
    %dma_wait3A_269 = tpu.memref_slice %arg8[%dma_wait3A_268] : memref<3072xf32, #tpu.memory_space<vmem>> -> memref<128xf32, #tpu.memory_space<vmem>>
    %dma_wait3A_270 = arith.constant 2432 : i32
    %dma_wait3A_271 = tpu.memref_slice %arg7[%dma_wait3A_270] : memref<3072xi32, #tpu.memory_space<vmem>> -> memref<128xi32, #tpu.memory_space<vmem>>
    %dma_wait3A_272 = arith.constant 0 : i32
    %dma_wait3A_273 = tpu.memref_slice %arg3[%dma_wait3A_272] : memref<6000000xf32, #tpu.memory_space<hbm>> -> memref<6000000xf32, #tpu.memory_space<hbm>>
    tpu.wait_indirect_dma semaphore(%arg10 : memref<!tpu.dma_semaphore, #tpu.memory_space<semaphore_mem>>) src(%dma_wait3A_273 : memref<6000000xf32, #tpu.memory_space<hbm>>) dst(%dma_wait3A_269 : memref<128xf32, #tpu.memory_space<vmem>>)
    %dma_wait3A_274 = arith.constant 2560 : i32
    %dma_wait3A_275 = tpu.memref_slice %arg8[%dma_wait3A_274] : memref<3072xf32, #tpu.memory_space<vmem>> -> memref<128xf32, #tpu.memory_space<vmem>>
    %dma_wait3A_276 = arith.constant 2560 : i32
    %dma_wait3A_277 = tpu.memref_slice %arg7[%dma_wait3A_276] : memref<3072xi32, #tpu.memory_space<vmem>> -> memref<128xi32, #tpu.memory_space<vmem>>
    %dma_wait3A_278 = arith.constant 0 : i32
    %dma_wait3A_279 = tpu.memref_slice %arg3[%dma_wait3A_278] : memref<6000000xf32, #tpu.memory_space<hbm>> -> memref<6000000xf32, #tpu.memory_space<hbm>>
    tpu.wait_indirect_dma semaphore(%arg10 : memref<!tpu.dma_semaphore, #tpu.memory_space<semaphore_mem>>) src(%dma_wait3A_279 : memref<6000000xf32, #tpu.memory_space<hbm>>) dst(%dma_wait3A_275 : memref<128xf32, #tpu.memory_space<vmem>>)
    %dma_wait3A_280 = arith.constant 2688 : i32
    %dma_wait3A_281 = tpu.memref_slice %arg8[%dma_wait3A_280] : memref<3072xf32, #tpu.memory_space<vmem>> -> memref<128xf32, #tpu.memory_space<vmem>>
    %dma_wait3A_282 = arith.constant 2688 : i32
    %dma_wait3A_283 = tpu.memref_slice %arg7[%dma_wait3A_282] : memref<3072xi32, #tpu.memory_space<vmem>> -> memref<128xi32, #tpu.memory_space<vmem>>
    %dma_wait3A_284 = arith.constant 0 : i32
    %dma_wait3A_285 = tpu.memref_slice %arg3[%dma_wait3A_284] : memref<6000000xf32, #tpu.memory_space<hbm>> -> memref<6000000xf32, #tpu.memory_space<hbm>>
    tpu.wait_indirect_dma semaphore(%arg10 : memref<!tpu.dma_semaphore, #tpu.memory_space<semaphore_mem>>) src(%dma_wait3A_285 : memref<6000000xf32, #tpu.memory_space<hbm>>) dst(%dma_wait3A_281 : memref<128xf32, #tpu.memory_space<vmem>>)
    %dma_wait3A_286 = arith.constant 2816 : i32
    %dma_wait3A_287 = tpu.memref_slice %arg8[%dma_wait3A_286] : memref<3072xf32, #tpu.memory_space<vmem>> -> memref<128xf32, #tpu.memory_space<vmem>>
    %dma_wait3A_288 = arith.constant 2816 : i32
    %dma_wait3A_289 = tpu.memref_slice %arg7[%dma_wait3A_288] : memref<3072xi32, #tpu.memory_space<vmem>> -> memref<128xi32, #tpu.memory_space<vmem>>
    %dma_wait3A_290 = arith.constant 0 : i32
    %dma_wait3A_291 = tpu.memref_slice %arg3[%dma_wait3A_290] : memref<6000000xf32, #tpu.memory_space<hbm>> -> memref<6000000xf32, #tpu.memory_space<hbm>>
    tpu.wait_indirect_dma semaphore(%arg10 : memref<!tpu.dma_semaphore, #tpu.memory_space<semaphore_mem>>) src(%dma_wait3A_291 : memref<6000000xf32, #tpu.memory_space<hbm>>) dst(%dma_wait3A_287 : memref<128xf32, #tpu.memory_space<vmem>>)
    %dma_wait3A_292 = arith.constant 2944 : i32
    %dma_wait3A_293 = tpu.memref_slice %arg8[%dma_wait3A_292] : memref<3072xf32, #tpu.memory_space<vmem>> -> memref<128xf32, #tpu.memory_space<vmem>>
    %dma_wait3A_294 = arith.constant 2944 : i32
    %dma_wait3A_295 = tpu.memref_slice %arg7[%dma_wait3A_294] : memref<3072xi32, #tpu.memory_space<vmem>> -> memref<128xi32, #tpu.memory_space<vmem>>
    %dma_wait3A_296 = arith.constant 0 : i32
    %dma_wait3A_297 = tpu.memref_slice %arg3[%dma_wait3A_296] : memref<6000000xf32, #tpu.memory_space<hbm>> -> memref<6000000xf32, #tpu.memory_space<hbm>>
    tpu.wait_indirect_dma semaphore(%arg10 : memref<!tpu.dma_semaphore, #tpu.memory_space<semaphore_mem>>) src(%dma_wait3A_297 : memref<6000000xf32, #tpu.memory_space<hbm>>) dst(%dma_wait3A_293 : memref<128xf32, #tpu.memory_space<vmem>>)
    %scan3A_298 = arith.constant 0 : i32
    %scan3A_299 = arith.constant 192 : i32
    %scan3A_300 = arith.addi %scan3A_298, %scan3A_299 : i32
    %scan3A_301 = arith.constant 4 : i32
    scf.for %scan3A_303 = %scan3A_298 to %scan3A_300 step %scan3A_301  : i32 {
      %mul3A_304 = arith.constant 16 : i32
      %mul3A_305 = arith.muli %scan3A_303, %mul3A_304 : i32
      %get3A = arith.index_cast %mul3A_305 : i32 to index
      %get3A_306 = tpu.vector_load %arg8[%get3A] {strides = array<i32>} : memref<3072xf32, #tpu.memory_space<vmem>>, vector<16xf32>,
      %convert_element_type3A = arith.fptosi %get3A_306 : vector<16xf32> to vector<16xi32>
      %add3A_307 = arith.constant 1 : i32
      %add3A_308 = vector.broadcast %add3A_307 : i32 to vector<16xi32>
      %add3A_309 = arith.addi %convert_element_type3A, %add3A_308 : vector<16xi32>
      %mul3A_310 = arith.constant 16 : i32
      %mul3A_311 = arith.muli %scan3A_303, %mul3A_310 : i32
      %swap3A = arith.index_cast %mul3A_311 : i32 to index
      %swap3A_312 = tpu.vector_load %arg9[%swap3A] {strides = array<i32>} : memref<3072xi32, #tpu.memory_space<vmem>>, vector<16xi32>,
      tpu.vector_store %arg9[%swap3A], %add3A_309 {strides = array<i32>} : memref<3072xi32, #tpu.memory_space<vmem>>, vector<16xi32>,
      %scan3A_313 = arith.constant 1 : i32
      %scan3A_314 = arith.addi %scan3A_303, %scan3A_313 : i32
      %mul3A_315 = arith.constant 16 : i32
      %mul3A_316 = arith.muli %scan3A_314, %mul3A_315 : i32
      %get3A_317 = arith.index_cast %mul3A_316 : i32 to index
      %get3A_318 = tpu.vector_load %arg8[%get3A_317] {strides = array<i32>} : memref<3072xf32, #tpu.memory_space<vmem>>, vector<16xf32>,
      %convert_element_type3A_319 = arith.fptosi %get3A_318 : vector<16xf32> to vector<16xi32>
      %add3A_320 = arith.constant 1 : i32
      %add3A_321 = vector.broadcast %add3A_320 : i32 to vector<16xi32>
      %add3A_322 = arith.addi %convert_element_type3A_319, %add3A_321 : vector<16xi32>
      %mul3A_323 = arith.constant 16 : i32
      %mul3A_324 = arith.muli %scan3A_314, %mul3A_323 : i32
      %swap3A_325 = arith.index_cast %mul3A_324 : i32 to index
      %swap3A_326 = tpu.vector_load %arg9[%swap3A_325] {strides = array<i32>} : memref<3072xi32, #tpu.memory_space<vmem>>, vector<16xi32>,
      tpu.vector_store %arg9[%swap3A_325], %add3A_322 {strides = array<i32>} : memref<3072xi32, #tpu.memory_space<vmem>>, vector<16xi32>,
      %scan3A_327 = arith.constant 2 : i32
      %scan3A_328 = arith.addi %scan3A_303, %scan3A_327 : i32
      %mul3A_329 = arith.constant 16 : i32
      %mul3A_330 = arith.muli %scan3A_328, %mul3A_329 : i32
      %get3A_331 = arith.index_cast %mul3A_330 : i32 to index
      %get3A_332 = tpu.vector_load %arg8[%get3A_331] {strides = array<i32>} : memref<3072xf32, #tpu.memory_space<vmem>>, vector<16xf32>,
      %convert_element_type3A_333 = arith.fptosi %get3A_332 : vector<16xf32> to vector<16xi32>
      %add3A_334 = arith.constant 1 : i32
      %add3A_335 = vector.broadcast %add3A_334 : i32 to vector<16xi32>
      %add3A_336 = arith.addi %convert_element_type3A_333, %add3A_335 : vector<16xi32>
      %mul3A_337 = arith.constant 16 : i32
      %mul3A_338 = arith.muli %scan3A_328, %mul3A_337 : i32
      %swap3A_339 = arith.index_cast %mul3A_338 : i32 to index
      %swap3A_340 = tpu.vector_load %arg9[%swap3A_339] {strides = array<i32>} : memref<3072xi32, #tpu.memory_space<vmem>>, vector<16xi32>,
      tpu.vector_store %arg9[%swap3A_339], %add3A_336 {strides = array<i32>} : memref<3072xi32, #tpu.memory_space<vmem>>, vector<16xi32>,
      %scan3A_341 = arith.constant 3 : i32
      %scan3A_342 = arith.addi %scan3A_303, %scan3A_341 : i32
      %mul3A_343 = arith.constant 16 : i32
      %mul3A_344 = arith.muli %scan3A_342, %mul3A_343 : i32
      %get3A_345 = arith.index_cast %mul3A_344 : i32 to index
      %get3A_346 = tpu.vector_load %arg8[%get3A_345] {strides = array<i32>} : memref<3072xf32, #tpu.memory_space<vmem>>, vector<16xf32>,
      %convert_element_type3A_347 = arith.fptosi %get3A_346 : vector<16xf32> to vector<16xi32>
      %add3A_348 = arith.constant 1 : i32
      %add3A_349 = vector.broadcast %add3A_348 : i32 to vector<16xi32>
      %add3A_350 = arith.addi %convert_element_type3A_347, %add3A_349 : vector<16xi32>
      %mul3A_351 = arith.constant 16 : i32
      %mul3A_352 = arith.muli %scan3A_342, %mul3A_351 : i32
      %swap3A_353 = arith.index_cast %mul3A_352 : i32 to index
      %swap3A_354 = tpu.vector_load %arg9[%swap3A_353] {strides = array<i32>} : memref<3072xi32, #tpu.memory_space<vmem>>, vector<16xi32>,
      tpu.vector_store %arg9[%swap3A_353], %add3A_350 {strides = array<i32>} : memref<3072xi32, #tpu.memory_space<vmem>>, vector<16xi32>,
    }
    %scan3A_302 = arith.constant 192 : i32
    "tpu.region"() ({
      %run_scoped3A = tpu.sem_alloc : memref<!tpu.dma_semaphore, #tpu.memory_space<semaphore_mem>>
      %dma_start3A_303 = tpu.memref_slice %arg4[%mul3A_2] : memref<98304xi32, #tpu.memory_space<hbm>> -> memref<3072xi32, #tpu.memory_space<hbm>>
      %dma_start3A_304 = tpu.memref_slice %arg4[%mul3A_2] : memref<98304xi32, #tpu.memory_space<hbm>> -> memref<3072xi32, #tpu.memory_space<hbm>>
      tpu.enqueue_dma source(%arg9 : memref<3072xi32, #tpu.memory_space<vmem>>) target(%dma_start3A_304 : memref<3072xi32, #tpu.memory_space<hbm>>) target_semaphore(%run_scoped3A : memref<!tpu.dma_semaphore, #tpu.memory_space<semaphore_mem>>)
      %dma_wait3A_305 = tpu.memref_slice %arg4[%mul3A_2] : memref<98304xi32, #tpu.memory_space<hbm>> -> memref<3072xi32, #tpu.memory_space<hbm>>
      %dma_wait3A_306 = tpu.memref_slice %arg4[%mul3A_2] : memref<98304xi32, #tpu.memory_space<hbm>> -> memref<3072xi32, #tpu.memory_space<hbm>>
      tpu.wait_dma2 semaphore(%run_scoped3A : memref<!tpu.dma_semaphore, #tpu.memory_space<semaphore_mem>>) src(%arg9 : memref<3072xi32, #tpu.memory_space<vmem>>) dst(%dma_wait3A_306 : memref<3072xi32, #tpu.memory_space<hbm>>)
      tpu.yield
    }) : () -> ()
    return
  }
}

</mosaic_0001>

<sc_bundles>
// kernel: _lookup.3.cloned.1.call-start
scs
__scs_entry_jumppad:
0x0: {  	(pc) =	sbr.rel $0x88, $3  }
0x1: {  	(tag) =	ssettag $0x0;
	lr =	simm.s32 $0x1  }
0x2: {  	[smem:$0x3F9F] =	sst lr;
	_ =	strace $0xD0000000  }
0x3: {  	_ = 	snop  }
0x4: {  	_ = 	snop  }
0x5: {  	_ = 	snop  }
0x6: {  	_ = 	snop  }
0x7: {  	_ = 	snop  }
__scs_overlays_trampoline_lowered:
0x8: {  	[smem:$0x3FAE] =	sst s0  }
0x9: {  	[smem:$0x3FAF] =	sst s1  }
0xa: {  	[smem:$0x3FB0] =	sst s2  }
0xb: {  	[smem:$0x3FB1] =	sst s3  }
0xc: {  	[smem:$0x3FB2] =	sst s4  }
0xd: {  	[smem:$0x3FB3] =	sst s5  }
0xe: {  	[smem:$0x3FB4] =	sst s6  }
0xf: {  	[smem:$0x3FB5] =	sst s7  }
0x10: {  	[smem:$0x3FB6] =	sst s8  }
0x11: {  	[smem:$0x3FB7] =	sst s9;
	s0 =	simm.s32 @!p0 $0x0  }
0x12: {  	s1 =	sld [smem:$0x3F9D];
	s0 =	simm.s32 @p0 $0x1  }
0x13: {  	[smem:$0x3FB8] =	sst s0;
	s0 =	simm.s32 @!p1 $0x0  }
0x14: {  	s2 =	sld [smem:$0x3F9C];
	s0 =	simm.s32 @p1 $0x1  }
0x15: {  	[smem:$0x3FB9] =	sst s0;
	s0 =	simm.s32 @!p2 $0x0  }
0x16: {  	s3 =	sld [smem:$0x3FDB];
	s0 =	simm.s32 @p2 $0x1  }
0x17: {  	s4 =	simm.s32 $0x1BF5;
	[smem:$0x3FBB] =	sst s0  }
0x18: {  	s0 =	sld [smem:$0x3F9E];
	_ =	swait.ge [sflag:s4], $0x0  }
0x19: {  	s7 =	sld [smem:$0x3F9F]  }
0x1a: {  	s8 =	sadd.s32 $0xFFFFE003, lr  }
0x1b: {  	s9 =	sadd.s32 $0xFFFFFEF7, lr;
	s5 =	simm.s32 $0xFFFFFFFF;
	p2 =	slt.u32 s8, $0xFFFFF086  }
0x1c: {  	p1 =	slt.u32 s9, $0xF7A;
	s5 =	simm.s32 @!p2 $0x0  }
0x1d: {  	s5 =	simm.s32 @p1 $0x1;
	p0 =	seq.s32 s7, s2  }
0x1e: {  	s7 =	smul.u32 @!p0 $0xF7A, s2;
	p2 =	seq.s32 @!p0 s5, $0x0  }
0x1f: {  	s9 =	smul.u32 $0xF7A, s1;
	s8 =	simm.s32 @!p0 $0x1BF5;
	p2 =	por !p2, p0  }
0x20: {  	[sflag:s8] =	ssyncset.s32 @!p0 $0xFFFFF086;
	s6 =	sadd.s32 @!p0 s3, s7;
	s7 =	simm.s32 @!p0 $0x108  }
0x21: {  	s3 =	sadd.s32 s3, s9;
	s6 =	sadd.s32 @!p0 $0x88, s6;
	s7 =	simm.s32 @p2 $0x1082  }
0x22: {  	[simem:s7], [sflag:s8] =	dma.local @!p0 [hbm:s6], $0xF7A  }
0x23: {  	s9 =	sor.u32 $0xD0000000, s2;
	s6 =	simm.s32 $0x108;
	_ =	swait.ge @!p0 [sflag:s8], $0x0  }
0x24: {  	s3 =	sadd.s32 $0x88, s3;
	s6 =	simm.s32 @!p1 $0x1082;
	[sflag:s4] =	ssyncset.s32 $0xFFFFF086  }
0x25: {  	[simem:s6], [sflag:s4] =	dma.local [hbm:s3], $0xF7A  }
0x26: {  	[smem:$0x3F9F] =	sst s1;
	(tag) =	ssettag s2;
	_ =	strace s9  }
0x27: {  	s1 =	sld [smem:$0x3FAF]  }
0x28: {  	s2 =	sld [smem:$0x3FB0]  }
0x29: {  	s4 =	sld [smem:$0x3FB2]  }
0x2a: {  	p0 =	seq.s32 s5, $0x0;
	s5 =	sld [smem:$0x3FB3]  }
0x2b: {  	s6 =	sld [smem:$0x3FB4]  }
0x2c: {  	s7 =	sld [smem:$0x3FB5]  }
0x2d: {  	s3 =	simm.s32 $0x108;
	s8 =	sld [smem:$0x3FB6]  }
0x2e: {  	s3 =	simm.s32 @!p0 $0x1082;
	s9 =	sld [smem:$0x3FB7]  }
0x2f: {  	lr =	sadd.s32 s0, s3;
	s0 =	sld [smem:$0x3FAE]  }
0x30: {  	s3 =	sld [smem:$0x3FB1]  }
0x31: {  	[smem:$0x3FBA] =	sst s10  }
0x32: {  	s10 =	sld [smem:$0x3FB8];
	_ =	sdelay $0x3  }
0x33: {  	p0 =	seq.s32 s10, $0x1;
	s10 =	sld [smem:$0x3FBA];
	_ =	sdelay $0x3  }
0x34: {  	[smem:$0x3FBA] =	sst s10  }
0x35: {  	s10 =	sld [smem:$0x3FB9];
	_ =	sdelay $0x3  }
0x36: {  	p1 =	seq.s32 s10, $0x1;
	s10 =	sld [smem:$0x3FBA];
	_ =	sdelay $0x3  }
0x37: {  	[smem:$0x3FBA] =	sst s10  }
0x38: {  	s10 =	sld [smem:$0x3FBB]  }
0x39: {  	_ = 	snop;
	(pc) =	sbr.ind lr, $3  }
0x3a: {  	_ = 	snop  }
0x3b: {  	_ = 	snop  }
0x3c: {  	p2 =	seq.s32 s10, $0x1;
	s10 =	sld [smem:$0x3FBA]  }
0x3d: {  	_ =	shalt  }
0x3e: {  	_ =	shalt  }
0x3f: {  	_ =	shalt  }
0x40: {  	_ =	shalt  }
0x41: {  	_ =	shalt  }
0x42: {  	_ =	shalt  }
0x43: {  	_ =	shalt  }
0x44: {  	_ =	shalt  }
0x45: {  	_ =	shalt  }
0x46: {  	_ =	shalt  }
0x47: {  	_ =	shalt  }
0x48: {  	_ =	shalt  }
0x49: {  	_ =	shalt  }
0x4a: {  	_ =	shalt  }
0x4b: {  	_ =	shalt  }
0x4c: {  	_ =	shalt  }
0x4d: {  	_ =	shalt  }
0x4e: {  	_ =	shalt  }
0x4f: {  	_ =	shalt  }
0x50: {  	_ =	shalt  }
0x51: {  	_ =	shalt  }
0x52: {  	_ =	shalt  }
0x53: {  	_ =	shalt  }
0x54: {  	_ =	shalt  }
0x55: {  	_ =	shalt  }
0x56: {  	_ =	shalt  }
0x57: {  	_ =	shalt  }
0x58: {  	_ =	shalt  }
0x59: {  	_ =	shalt  }
0x5a: {  	_ =	shalt  }
0x5b: {  	_ =	shalt  }
0x5c: {  	_ =	shalt  }
0x5d: {  	_ =	shalt  }
0x5e: {  	_ =	shalt  }
0x5f: {  	_ =	shalt  }
0x60: {  	_ =	shalt  }
0x61: {  	_ =	shalt  }
0x62: {  	_ =	shalt  }
0x63: {  	_ =	shalt  }
0x64: {  	_ =	shalt  }
0x65: {  	_ =	shalt  }
0x66: {  	_ =	shalt  }
0x67: {  	_ =	shalt  }
0x68: {  	_ =	shalt  }
0x69: {  	_ =	shalt  }
0x6a: {  	_ =	shalt  }
0x6b: {  	_ =	shalt  }
0x6c: {  	_ =	shalt  }
0x6d: {  	_ =	shalt  }
0x6e: {  	_ =	shalt  }
0x6f: {  	_ =	shalt  }
0x70: {  	_ =	shalt  }
0x71: {  	_ =	shalt  }
0x72: {  	_ =	shalt  }
0x73: {  	_ =	shalt  }
0x74: {  	_ =	shalt  }
0x75: {  	_ =	shalt  }
0x76: {  	_ =	shalt  }
0x77: {  	_ =	shalt  }
0x78: {  	_ =	shalt  }
0x79: {  	_ =	shalt  }
0x7a: {  	_ =	shalt  }
0x7b: {  	_ =	shalt  }
0x7c: {  	_ =	shalt  }
0x7d: {  	_ =	shalt  }
0x7e: {  	_ =	shalt  }
0x7f: {  	_ =	shalt  }
0x80: {  	_ =	shalt  }
0x81: {  	_ =	shalt  }
0x82: {  	_ =	shalt  }
0x83: {  	_ =	shalt  }
0x84: {  	_ =	shalt  }
0x85: {  	_ =	shalt  }
0x86: {  	_ =	shalt  }
0x87: {  	_ =	shalt  }
.Lfunc_end0:
.L_simem_size_0:
called_computation_lowered:
.L_overlay_start_0:
0x88: {  	s2 =	sld [smem:$0x3FD9]  }
0x89: {  	s3 =	sld [smem:$0x3FFE];
	_ =	sdelay $0x1  }
0x8a: {  	s1 =	srdreg.scid  }
0x8b: {  	s0 =	sand.u32 $0x1, s1  }
0x8c: {  	s18 =	sshll.u32 s0, $0xA;
	s2 =	sadd.s32 s3, s2  }
0x8d: {  	s2 =	sadd.s32 s2, s18  }
0x8e: {  	[smem:$0x3FC6] =	sst s2  }
0x8f: {  	_ = 	snop  }
0x90: {  	s2 =	sld [smem:$0x3FC9]  }
0x91: {  	s19 =	sld [smem:$0x3FC8]  }
0x92: {  	s4 =	sld [smem:$0x3FD0];
	(tm) =	ssettm $0x1  }
0x93: {  	s5 =	sld [smem:$0x3FFB];
	_ =	sdelay $0x3  }
0x94: {  	_ =	strace s5  }
0x95: {  	s5 =	sld [smem:$0x3FFC];
	_ =	sdelay $0x3  }
0x96: {  	_ =	strace s5  }
0x97: {  	s5 =	sld [smem:$0x3FFD];
	_ =	sdelay $0x3  }
0x98: {  	_ =	strace s5  }
0x99: {  	_ =	strace $0x8FFFFFFF  }
0x9a: {  	s20 =	sld [smem:$0x3FDB];
	_ =	sdelay $0x1  }
0x9b: {  	s6 =	simm.s32 $_scs_section_size  }
0x9c: {  	s7 =	simm.s32 $_size__tile_overlayer_lowered;
	s8 =	simm.s32 $_tile_overlayer_lowered  }
0x9d: {  	s23 =	simm.s32 $0x1BFF;
	s22 =	sshll.u32 s8, $0x1;
	s5 =	sadd.s32 s6, s20  }
0x9e: {  	s9 =	simm.s32 $0x0;
	s21 =	sshll.u32 s7, $0x1;
	s7 =	sadd.s32 s22, s5  }
0x9f: {  	[timem:s9], [sflag:s23] =	dma.local [hbm:s7], s21  }
0xa0: {  	_ =	swait.ge [sflag:s23], s21  }
0xa1: {  	s6 =	ssub.s32 $0x0, s21;
	[sflag:s23] =	ssyncset.done $0x0  }
0xa2: {  	[sflag:s23] =	ssyncadd.s32 s6;
	_ =	sdelay $0x1  }
0xa3: {  	s24 =	simm.s32 $0x1B8B  }
0xa4: {  	_ =	swait.ge [sflag:s24], $0x1  }
0xa5: {  	[sflag:s24] =	ssyncset.done $0x0  }
0xa6: {  	s25 =	simm.s32 $0x1B8E;
	[sflag:s24] =	ssyncadd.s32 $0xFFFFFFFF  }
0xa7: {  	s26 =	simm.s32 $execute0_lowered;
	[smem:$0x3FD2] =	sst s25  }
0xa8: {  	s6 =	sshll.u32 s26, $0x1;
	_ =	strace $0x80000046;
	[dreg:$0x1] =	wrdreg $0xFFFFFFFF  }
0xa9: {  	s28 =	simm.s32 $_size_execute0_lowered;
	s5 =	sadd.s32 s5, s6;
	[dreg:$0x0] =	wrdreg $0x0  }
0xaa: {  	s6 =	sshll.u32 s28, $0x1;
	[dreg:$0x2] =	wrdreg s5  }
0xab: {  	[dreg:$0x3] =	wrdreg s6  }
0xac: {  	[dreg:$0x4] =	wrdreg $0xC0  }
0xad: {  	_ =	task [dreg:s9], $0x5FFFF  }
0xae: {  	[dreg:$0x1] =	wrdreg $0xFFFFFFFF  }
0xaf: {  	[dreg:$0x0] =	wrdreg $0x60  }
0xb0: {  	[dreg:$0x2] =	wrdreg s2  }
0xb1: {  	[dreg:$0x3] =	wrdreg s19  }
0xb2: {  	[dreg:$0x4] =	wrdreg s4  }
0xb3: {  	[dreg:$0x5] =	wrdreg $0x9  }
0xb4: {  	_ =	task.clear_ibuf [dreg:s9], $0x6FFFF;
	_ =	strace $0x90000046  }
0xb5: {  	s29 =	simm.s32 $0x9;
	_ =	strace $0x80000048  }
0xb6: {  	_ =	swait.ge [sflag:s29], $0x1  }
0xb7: {  	[sflag:s29] =	ssyncadd.s32 $0xFFFFFFFF  }
0xb8: {  	_ =	strace $0x90000048  }
0xb9: {  	_ =	sfence  }
0xba: {  	s30 =	sld [smem:$0x0];
	_ =	sdelay $0x2  }
0xbb: {  	s31 =	sshll.u32 s1, $0xD;
	s1 =	sshrl.u32 s1, $0x2  }
0xbc: {  	s3 =	sand.u32 $0x4000, s31;
	s1 =	sadd.s32 s1, s30  }
0xbd: {  	s0 =	sor.u32 s3, s0;
	s1 =	sshll.u32 s1, $0x11  }
0xbe: {  	s0 =	sor.u32 s1, s0  }
0xbf: {  	s0 =	sadd.s32 $0x8F2B, s0  }
0xc0: {  	[sflag:s0] =	ssyncadd.remote.s32 $0x1  }
0xc1: {  	_ =	sfence.sel $0xFFFF  }
0xc2: {  	[dreg:$0x0] =	wrdreg $0xFFFFFFFF;
	(pc) =	sbr.abs _section_cstart, $3  }
0xc3: {  	[dreg:$0x1] =	wrdreg $0xFFFFFFFF  }
0xc4: {  	_ =	task.clear_ibuf [dreg:s9], $0x2FFFF;
	_ =	strace $0x9FFFFFFF  }
0xc5: {  	(tm) =	ssettm $0x7FFFFFFF  }
tec
execute0_lowered:
.L_overlay_start_1:
0x0: {  	(tag) =	ssettag $0x1  }
0x1: {  	s0 =	rddreg [dreg:$0x0]  }
0x2: {  	s2 =	rddreg [dreg:$0x1]  }
0x3: {  	s1 =	rddreg [dreg:$0x2]  }
0x4: {  	s3 =	srdreg.scid;
	s5 =	stileid.u32;
	s8 =	simm.s32 $0xC00  }
0x5: {  	s9 =	simm.s32 $0x80;
	s21 =	simm.s32 $0x1680;
	s22 =	simm.s32 $0x2280  }
0x6: {  	s23 =	simm.s32 $0x1700;
	s24 =	simm.s32 $0x2300;
	s25 =	simm.s32 $0x1780  }
0x7: {  	s28 =	simm.s32 $0x1800;
	s29 =	simm.s32 $0x2400;
	s30 =	simm.s32 $0x1880  }
0x8: {  	s31 =	simm.s32 $0x2480;
	s10 =	simm.s32 $0x1980;
	s11 =	simm.s32 $0x2580  }
0x9: {  	s12 =	simm.s32 $0x1;
	s13 =	simm.s32 $0x2600;
	s14 =	simm.s32 $0x0  }
0xa: {  	s19 =	simm.s32 $0x0;
	s4 =	sand.u32 $0x1, s3;
	s5 =	sshll.u32 s5, $0x1  }
0xb: {  	v0 =	vlaneseq.u32;
	s3 =	simm.s32 $0x0;
	s6 =	ssub.s32 $0x2, s4;
	s4 =	sor.u32 s4, s5  }
0xc: {  	v1 =	vmul.u32 $0x6, v0;
	[smem:$0x7FF] =	sst s3;
	s26 =	sshrl.u32 s6, $0x1;
	s7 =	smul.u32 $0x180, s4  }
0xd: {  	v2 =	vimm.s32 $0xFAFCFEF8;
	v8 =	vimm.s32 $0x0;
	_ =	strace $0x80000047;
	s6 =	ssub.s32 s6, s26;
	s26 =	simm.s32 $0x2380  }
0xe: {  	v2 =	vunpack.c.0.s8.s32 v2;
	v3 =	vor.u32 $0x1, v1;
	v4 =	vadd.s32 $0x2, v1;
	s4 =	sadd.s32 s0, s7;
	s5 =	sadd.s32 s1, s7;
	s6 =	smax.u32 s6, $0x1  }
0xf: {  	v5 =	vadd.s32 $0x3, v1;
	v6 =	vadd.s32 $0x4, v1;
	v7 =	vadd.s32 $0x5, v1;
	s7 =	simm.s32 $0x2;
	s0 =	simm.s32 $0x1900;
	s1 =	simm.s32 $0x2500  }
.LBB2_1:
0x10: {  	v9 =	vmov s3  }
0x11: {  	v9 =	vmul.u32 $0x6, v9;
	_ =	sdelay $0x1  }
0x12: {  	v9 =	vbroadcast v9, $0x0;
	_ =	sdelay $0x1  }
0x13: {  	v10 =	vor.u32 v1, v9  }
0x14: {  	v10 =	vand.u32 v2, v10  }
0x15: {  	[tilespmem:s3], [sflag:$0x2] =	stream.linear.gather [hbm4b:s4+s3], $0xC00, $0x38;
	[tilespmem:$0x3200] =	vst v63  }
0x16: {  	_ =	swait.ge [sflag:s7], $0xC00;
	v11 =	vor.u32 v3, v9  }
0x17: {  	[sflag:s7] =	ssyncset.done $0x0  }
0x18: {  	[sflag:s7] =	ssyncadd.s32 $0xFFFFF400  }
0x19: {  	v12 =	vor.u32 v4, v9;
	v10 =	vld.idx.msk [tilespmem:v10+s3+$0x0], $0xffff;
	_ =	sdelay $0x1  }
0x1a: {  	v11 =	vld.idx.msk [tilespmem:v11+s3+$0x0], $0xffff  }
0x1b: {  	v13 =	vor.u32 v5, v9;
	_ =	sdelay $0x1  }
0x1c: {  	v12 =	vld.idx.msk [tilespmem:v12+s3+$0x0], $0xffff;
	v10 =	vmul.u32 $0xA, v10  }
0x1d: {  	v14 =	vor.u32 v6, v9  }
0x1e: {  	v10 =	vadd.s32 v11, v10  }
0x1f: {  	v11 =	vld.idx.msk [tilespmem:v13+s3+$0x0], $0xffff;
	v10 =	vmul.u32 $0xA, v10  }
0x20: {  	v9 =	vor.u32 v7, v9  }
0x21: {  	s15 =	simm.s32 $0x10;
	v10 =	vadd.s32 v12, v10  }
0x22: {  	v13 =	vmov s15;
	v12 =	vld.idx.msk [tilespmem:v14+s3+$0x0], $0xffff;
	v10 =	vmul.u32 $0xA, v10  }
0x23: {  	v13 =	vmul.u32 $0x6, v13  }
0x24: {  	v10 =	vadd.s32 v11, v10  }
0x25: {  	v9 =	vld.idx.msk [tilespmem:v9+s3+$0x0], $0xffff;
	v11 =	vbroadcast v13, $0x0;
	v10 =	vmul.u32 $0xA, v10;
	_ =	sdelay $0x1  }
0x26: {  	v10 =	vadd.s32 v12, v10;
	v12 =	vadd.s32 v1, v11  }
0x27: {  	v10 =	vmul.u32 $0xA, v10  }
0x28: {  	v13 =	vadd.s32 v3, v11  }
0x29: {  	s16 =	simm.s32 $0xC20;
	v9 =	vadd.s32 v9, v10  }
0x2a: {  	[tilespmem:s16+$0xFFFFFFE0] =	vst v9  }
0x2b: {  	v10 =	vadd.s32 v4, v11;
	v9 =	vld.idx.msk [tilespmem:v12+s3+$0x0], $0xffff;
	_ =	sdelay $0x1  }
0x2c: {  	v12 =	vld.idx.msk [tilespmem:v13+s3+$0x0], $0xffff  }
0x2d: {  	v13 =	vadd.s32 v5, v11;
	_ =	sdelay $0x1  }
0x2e: {  	v10 =	vld.idx.msk [tilespmem:v10+s3+$0x0], $0xffff;
	v9 =	vmul.u32 $0xA, v9  }
0x2f: {  	v14 =	vadd.s32 v6, v11  }
0x30: {  	v9 =	vadd.s32 v12, v9  }
0x31: {  	v12 =	vld.idx.msk [tilespmem:v13+s3+$0x0], $0xffff;
	v9 =	vmul.u32 $0xA, v9  }
0x32: {  	v11 =	vadd.s32 v7, v11  }
0x33: {  	s18 =	simm.s32 $0x20;
	v9 =	vadd.s32 v10, v9  }
0x34: {  	v13 =	vmov s18;
	v10 =	vld.idx.msk [tilespmem:v14+s3+$0x0], $0xffff;
	v9 =	vmul.u32 $0xA, v9  }
0x35: {  	v13 =	vmul.u32 $0x6, v13  }
0x36: {  	v9 =	vadd.s32 v12, v9  }
0x37: {  	v11 =	vld.idx.msk [tilespmem:v11+s3+$0x0], $0xffff;
	v12 =	vbroadcast v13, $0x0;
	v9 =	vmul.u32 $0xA, v9;
	_ =	sdelay $0x1  }
0x38: {  	v9 =	vadd.s32 v10, v9;
	v10 =	vadd.s32 v1, v12  }
0x39: {  	v9 =	vmul.u32 $0xA, v9  }
0x3a: {  	v13 =	vadd.s32 v3, v12  }
0x3b: {  	v9 =	vadd.s32 v11, v9  }
0x3c: {  	[tilespmem:s16+$0xFFFFFFF0] =	vst v9  }
0x3d: {  	v9 =	vadd.s32 v4, v12;
	v10 =	vld.idx.msk [tilespmem:v10+s3+$0x0], $0xffff;
	_ =	sdelay $0x1  }
0x3e: {  	v11 =	vld.idx.msk [tilespmem:v13+s3+$0x0], $0xffff  }
0x3f: {  	v13 =	vadd.s32 v5, v12;
	_ =	sdelay $0x1  }
0x40: {  	v9 =	vld.idx.msk [tilespmem:v9+s3+$0x0], $0xffff;
	v10 =	vmul.u32 $0xA, v10  }
0x41: {  	v14 =	vadd.s32 v6, v12  }
0x42: {  	v10 =	vadd.s32 v11, v10  }
0x43: {  	v11 =	vld.idx.msk [tilespmem:v13+s3+$0x0], $0xffff;
	v10 =	vmul.u32 $0xA, v10  }
0x44: {  	v12 =	vadd.s32 v7, v12  }
0x45: {  	s20 =	simm.s32 $0x30;
	v9 =	vadd.s32 v9, v10  }
0x46: {  	v13 =	vmov s20;
	v10 =	vld.idx.msk [tilespmem:v14+s3+$0x0], $0xffff;
	v9 =	vmul.u32 $0xA, v9  }
0x47: {  	v13 =	vmul.u32 $0x6, v13  }
0x48: {  	v9 =	vadd.s32 v11, v9  }
0x49: {  	v11 =	vld.idx.msk [tilespmem:v12+s3+$0x0], $0xffff;
	v12 =	vbroadcast v13, $0x0;
	v9 =	vmul.u32 $0xA, v9;
	_ =	sdelay $0x1  }
0x4a: {  	v9 =	vadd.s32 v10, v9;
	v10 =	vadd.s32 v1, v12  }
0x4b: {  	v9 =	vmul.u32 $0xA, v9  }
0x4c: {  	v13 =	vadd.s32 v3, v12  }
0x4d: {  	v9 =	vadd.s32 v11, v9  }
0x4e: {  	[tilespmem:s16+$0x0] =	vst v9  }
0x4f: {  	v9 =	vadd.s32 v4, v12;
	v10 =	vld.idx.msk [tilespmem:v10+s3+$0x0], $0xffff;
	_ =	sdelay $0x1  }
0x50: {  	v11 =	vadd.s32 v5, v12;
	v13 =	vld.idx.msk [tilespmem:v13+s3+$0x0], $0xffff  }
0x51: {  	v14 =	vadd.s32 v6, v12  }
0x52: {  	v15 =	vadd.s32 v7, v12  }
0x53: {  	v12 =	vld.idx.msk [tilespmem:v9+s3+$0x0], $0xffff;
	v9 =	vmul.u32 $0xA, v10;
	_ =	sdelay $0x1  }
0x54: {  	v11 =	vld.idx.msk [tilespmem:v11+s3+$0x0], $0xffff;
	v13 =	vadd.s32 v13, v9  }
0x55: {  	v10 =	vld.idx.msk [tilespmem:v14+s3+$0x0], $0xffff;
	v13 =	vmul.u32 $0xA, v13  }
0x56: {  	s17 =	simm.s32 $0x0;
	s18 =	simm.s32 $0x40;
	v9 =	vld.idx.msk [tilespmem:v15+s3+$0x0], $0xffff  }
.LBB2_2:
0x57: {  	v14 =	vmov s18;
	s17 =	sadd.s32 $0x4, s17;
	v12 =	vadd.s32 v12, v13  }
0x58: {  	v13 =	vmul.u32 $0x6, v14;
	p0 =	slt.u32 s17, $0x1C;
	v12 =	vmul.u32 $0xA, v12;
	_ =	sdelay $0x1  }
0x59: {  	v13 =	vbroadcast v13, $0x0;
	v11 =	vadd.s32 v11, v12  }
0x5a: {  	v11 =	vmul.u32 $0xA, v11  }
0x5b: {  	v12 =	vor.u32 v1, v13  }
0x5c: {  	v12 =	vand.u32 v2, v12;
	v10 =	vadd.s32 v10, v11  }
0x5d: {  	v11 =	vor.u32 v3, v13;
	v10 =	vmul.u32 $0xA, v10  }
0x5e: {  	v14 =	vor.u32 v4, v13  }
0x5f: {  	v15 =	vor.u32 v5, v13;
	v9 =	vadd.s32 v9, v10  }
0x60: {  	s15 =	simm.s32 $0xE20;
	v10 =	vor.u32 v6, v13;
	[tilespmem:s16+$0x10] =	vst v9  }
0x61: {  	v9 =	vld.idx.msk [tilespmem:v12+s19+$0x0], $0xffff;
	v12 =	vor.u32 v7, v13  }
0x62: {  	v11 =	vld.idx.msk [tilespmem:v11+s19+$0x0], $0xffff  }
0x63: {  	v13 =	vld.idx.msk [tilespmem:v14+s19+$0x0], $0xffff  }
0x64: {  	v14 =	vld.idx.msk [tilespmem:v15+s19+$0x0], $0xffff  }
0x65: {  	v10 =	vld.idx.msk [tilespmem:v10+s19+$0x0], $0xffff  }
0x66: {  	v12 =	vld.idx.msk [tilespmem:v12+s19+$0x0], $0xffff  }
0x67: {  	v9 =	vmul.u32 $0xA, v9;
	_ =	sdelay $0x1  }
0x68: {  	v9 =	vadd.s32 v11, v9  }
0x69: {  	v9 =	vmul.u32 $0xA, v9;
	_ =	sdelay $0x1  }
0x6a: {  	s20 =	sadd.s32 $0x10, s18;
	v9 =	vadd.s32 v13, v9  }
0x6b: {  	v11 =	vmov s20;
	v9 =	vmul.u32 $0xA, v9  }
0x6c: {  	v11 =	vmul.u32 $0x6, v11  }
0x6d: {  	v9 =	vadd.s32 v14, v9  }
0x6e: {  	v11 =	vbroadcast v11, $0x0;
	v9 =	vmul.u32 $0xA, v9;
	_ =	sdelay $0x1  }
0x6f: {  	v9 =	vadd.s32 v10, v9;
	v10 =	vadd.s32 v1, v11  }
0x70: {  	v9 =	vmul.u32 $0xA, v9  }
0x71: {  	v13 =	vadd.s32 v3, v11  }
0x72: {  	s16 =	sadd.s32 $0x40, s16;
	v9 =	vadd.s32 v12, v9  }
0x73: {  	[tilespmem:s16+$0xFFFFFFE0] =	vst v9  }
0x74: {  	v9 =	vld.idx.msk [tilespmem:v10+s19+$0x0], $0xffff;
	v10 =	vadd.s32 v4, v11;
	_ =	sdelay $0x1  }
0x75: {  	v12 =	vld.idx.msk [tilespmem:v13+s19+$0x0], $0xffff  }
0x76: {  	v13 =	vadd.s32 v5, v11;
	_ =	sdelay $0x1  }
0x77: {  	v10 =	vld.idx.msk [tilespmem:v10+s19+$0x0], $0xffff  }
0x78: {  	v14 =	vadd.s32 v6, v11;
	v9 =	vmul.u32 $0xA, v9;
	_ =	sdelay $0x1  }
0x79: {  	v9 =	vadd.s32 v12, v9;
	v12 =	vld.idx.msk [tilespmem:v13+s19+$0x0], $0xffff  }
0x7a: {  	v11 =	vadd.s32 v7, v11;
	v9 =	vmul.u32 $0xA, v9;
	_ =	sdelay $0x1  }
0x7b: {  	s20 =	sadd.s32 $0x20, s18;
	v9 =	vadd.s32 v10, v9;
	v10 =	vld.idx.msk [tilespmem:v14+s19+$0x0], $0xffff  }
0x7c: {  	v13 =	vmov s20;
	v9 =	vmul.u32 $0xA, v9  }
0x7d: {  	v13 =	vmul.u32 $0x6, v13  }
0x7e: {  	v9 =	vadd.s32 v12, v9;
	v11 =	vld.idx.msk [tilespmem:v11+s19+$0x0], $0xffff  }
0x7f: {  	v12 =	vbroadcast v13, $0x0;
	v9 =	vmul.u32 $0xA, v9;
	_ =	sdelay $0x1  }
0x80: {  	v9 =	vadd.s32 v10, v9;
	v10 =	vadd.s32 v1, v12  }
0x81: {  	v13 =	vadd.s32 v4, v12;
	v9 =	vmul.u32 $0xA, v9  }
0x82: {  	v14 =	vadd.s32 v3, v12  }
0x83: {  	v9 =	vadd.s32 v11, v9;
	v11 =	vadd.s32 v5, v12  }
0x84: {  	[tilespmem:s16+$0xFFFFFFF0] =	vst v9;
	v9 =	vadd.s32 v6, v12  }
0x85: {  	v12 =	vadd.s32 v7, v12;
	v10 =	vld.idx.msk [tilespmem:v10+s19+$0x0], $0xffff  }
0x86: {  	v13 =	vld.idx.msk [tilespmem:v13+s19+$0x0], $0xffff  }
0x87: {  	v14 =	vld.idx.msk [tilespmem:v14+s19+$0x0], $0xffff  }
0x88: {  	v11 =	vld.idx.msk [tilespmem:v11+s19+$0x0], $0xffff  }
0x89: {  	v9 =	vld.idx.msk [tilespmem:v9+s19+$0x0], $0xffff  }
0x8a: {  	v12 =	vld.idx.msk [tilespmem:v12+s19+$0x0], $0xffff  }
0x8b: {  	v10 =	vmul.u32 $0xA, v10;
	_ =	sdelay $0x1  }
0x8c: {  	v10 =	vadd.s32 v14, v10  }
0x8d: {  	v10 =	vmul.u32 $0xA, v10;
	_ =	sdelay $0x1  }
0x8e: {  	s20 =	sadd.s32 $0x30, s18;
	v10 =	vadd.s32 v13, v10  }
0x8f: {  	v13 =	vmov s20;
	v10 =	vmul.u32 $0xA, v10  }
0x90: {  	v13 =	vmul.u32 $0x6, v13  }
0x91: {  	v10 =	vadd.s32 v11, v10  }
0x92: {  	v11 =	vbroadcast v13, $0x0;
	v10 =	vmul.u32 $0xA, v10;
	_ =	sdelay $0x1  }
0x93: {  	v9 =	vadd.s32 v9, v10;
	v10 =	vadd.s32 v1, v11  }
0x94: {  	v13 =	vadd.s32 v3, v11;
	v9 =	vmul.u32 $0xA, v9  }
0x95: {  	v14 =	vadd.s32 v4, v11  }
0x96: {  	v15 =	vadd.s32 v5, v11;
	v9 =	vadd.s32 v12, v9  }
0x97: {  	[tilespmem:s16+$0x0] =	vst v9;
	v9 =	vadd.s32 v6, v11  }
0x98: {  	v17 =	vadd.s32 v7, v11;
	v16 =	vld.idx.msk [tilespmem:v10+s19+$0x0], $0xffff  }
0x99: {  	v13 =	vld.idx.msk [tilespmem:v13+s19+$0x0], $0xffff  }
0x9a: {  	v12 =	vld.idx.msk [tilespmem:v14+s19+$0x0], $0xffff  }
0x9b: {  	v11 =	vld.idx.msk [tilespmem:v15+s19+$0x0], $0xffff  }
0x9c: {  	v10 =	vld.idx.msk [tilespmem:v9+s19+$0x0], $0xffff  }
0x9d: {  	v9 =	vld.idx.msk [tilespmem:v17+s19+$0x0], $0xffff  }
.Ltmp0:
0x9e: {  	v14 =	vmul.u32 $0xA, v16;
	(pc) =	sbr.rel @p0 .LBB2_2-.Ltmp0, $4  }
0x9f: {  	_ = 	snop  }
0xa0: {  	v13 =	vadd.s32 v13, v14  }
0xa1: {  	v13 =	vmul.u32 $0xA, v13  }
0xa2: {  	s18 =	sadd.s32 $0x40, s18  }
0xa3: {  	v14 =	vor.u32 s19, v0  }
0xa4: {  	v15 =	vmulhi.u32 $0xAAAAAAAB, v14;
	_ =	sdelay $0x1  }
0xa5: {  	v12 =	vadd.s32 v12, v13;
	v13 =	vshrl.u32 v15, $0x2  }
0xa6: {  	v12 =	vmul.u32 $0xA, v12;
	v15 =	vmul.u32 $0xFFFFFFFA, v13  }
0xa7: {  	v16 =	vmov s19;
	v17 =	vsub.s32 $0x0, v14  }
0xa8: {  	vm1 =	veq.s32 v16, v0;
	v11 =	vadd.s32 v11, v12;
	vm0 =	vne.s32 v15, v17  }
0xa9: {  	v11 =	vmul.u32 $0xA, v11;
	vm0 =	vmand vm1, vm0  }
0xaa: {  	v12 =	vsel vm0, $0xFFFFFFFF, v8  }
0xab: {  	v10 =	vadd.s32 v10, v11;
	v11 =	vadd.s32 v12, v13  }
0xac: {  	v10 =	vmul.u32 $0xA, v10;
	_ =	sdelay $0x1  }
0xad: {  	v9 =	vadd.s32 v9, v10  }
0xae: {  	[tilespmem:s16+$0x10] =	vst v9  }
0xaf: {  	s17 =	simm.s32 $0x10;
	v9 =	vld.idx.msk [tilespmem:v11+s8+$0x0], $0xffff  }
0xb0: {  	v12 =	vor.u32 s17, v0  }
0xb1: {  	v10 =	vmulhi.u32 $0xAAAAAAAB, v12;
	_ =	sdelay $0x1  }
0xb2: {  	v13 =	vshrl.u32 v10, $0x2;
	v11 =	vmul.u32 $0xFFFFFFFA, v11  }
0xb3: {  	v9 =	vmul.u32 $0x6, v9  }
0xb4: {  	v10 =	vadd.s32 v14, v11  }
0xb5: {  	v9 =	vadd.s32 v9, v10  }
0xb6: {  	[tilespmem:s15+$0xFFFFFFE0] =	vst v9  }
0xb7: {  	s18 =	simm.s32 $0x20;
	v9 =	vld.idx.msk [tilespmem:v13+s8+$0x0], $0xffff  }
0xb8: {  	v10 =	vor.u32 s18, v0  }
0xb9: {  	v11 =	vmulhi.u32 $0xAAAAAAAB, v10;
	_ =	sdelay $0x1  }
0xba: {  	v13 =	vmul.u32 $0xFFFFFFFA, v13;
	v11 =	vshrl.u32 v11, $0x2  }
0xbb: {  	v14 =	vmul.u32 $0x6, v9  }
0xbc: {  	v12 =	vadd.s32 v12, v13  }
0xbd: {  	v12 =	vadd.s32 v14, v12  }
0xbe: {  	[tilespmem:s15+$0xFFFFFFF0] =	vst v12  }
0xbf: {  	s20 =	simm.s32 $0x30;
	v12 =	vld.idx.msk [tilespmem:v11+s8+$0x0], $0xffff  }
0xc0: {  	v9 =	vor.u32 s20, v0  }
0xc1: {  	v14 =	vmulhi.u32 $0xAAAAAAAB, v9;
	_ =	sdelay $0x1  }
0xc2: {  	s17 =	simm.s32 $0x40;
	s16 =	simm.s32 $0x0;
	v13 =	vmul.u32 $0xFFFFFFFA, v11;
	v11 =	vshrl.u32 v14, $0x2  }
.LBB2_4:
0xc3: {  	v14 =	vor.u32 s17, v0;
	s16 =	sadd.s32 $0x4, s16;
	v12 =	vmul.u32 $0x6, v12  }
0xc4: {  	v15 =	vmulhi.u32 $0xAAAAAAAB, v14;
	p0 =	slt.u32 s16, $0xBC;
	v10 =	vadd.s32 v10, v13  }
0xc5: {  	v10 =	vadd.s32 v12, v10  }
0xc6: {  	v12 =	vshrl.u32 v15, $0x2;
	[tilespmem:s15+$0x0] =	vst v10  }
0xc7: {  	v10 =	vmul.u32 $0xFFFFFFFA, v12;
	v13 =	vld.idx.msk [tilespmem:v11+s8+$0x0], $0xffff  }
0xc8: {  	v16 =	vsub.s32 $0x0, v14;
	v15 =	vmov s17  }
0xc9: {  	vm0 =	veq.s32 v15, v0;
	vm1 =	vne.s32 v10, v16  }
0xca: {  	vm0 =	vmand vm0, vm1  }
0xcb: {  	v10 =	vsel vm0, $0xFFFFFFFF, v8  }
0xcc: {  	v11 =	vmul.u32 $0xFFFFFFFA, v11;
	v10 =	vadd.s32 v10, v12  }
0xcd: {  	v12 =	vmul.u32 $0x6, v13  }
0xce: {  	v9 =	vadd.s32 v9, v11  }
0xcf: {  	v9 =	vadd.s32 v12, v9  }
0xd0: {  	[tilespmem:s15+$0x10] =	vst v9  }
0xd1: {  	v9 =	vld.idx.msk [tilespmem:v10+s8+$0x0], $0xffff  }
0xd2: {  	s18 =	sadd.s32 $0x10, s17  }
0xd3: {  	v11 =	vor.u32 s18, v0  }
0xd4: {  	v12 =	vmulhi.u32 $0xAAAAAAAB, v11;
	_ =	sdelay $0x1  }
0xd5: {  	v12 =	vshrl.u32 v12, $0x2;
	v10 =	vmul.u32 $0xFFFFFFFA, v10  }
0xd6: {  	v9 =	vmul.u32 $0x6, v9  }
0xd7: {  	v10 =	vadd.s32 v14, v10  }
0xd8: {  	s15 =	sadd.s32 $0x40, s15;
	v9 =	vadd.s32 v9, v10  }
0xd9: {  	[tilespmem:s15+$0xFFFFFFE0] =	vst v9  }
0xda: {  	v9 =	vld.idx.msk [tilespmem:v12+s8+$0x0], $0xffff  }
0xdb: {  	s18 =	sadd.s32 $0x20, s17  }
0xdc: {  	v10 =	vor.u32 s18, v0  }
0xdd: {  	v13 =	vmulhi.u32 $0xAAAAAAAB, v10;
	_ =	sdelay $0x1  }
0xde: {  	v12 =	vmul.u32 $0xFFFFFFFA, v12;
	v13 =	vshrl.u32 v13, $0x2  }
0xdf: {  	v9 =	vmul.u32 $0x6, v9  }
0xe0: {  	v11 =	vadd.s32 v11, v12  }
0xe1: {  	v9 =	vadd.s32 v9, v11  }
0xe2: {  	[tilespmem:s15+$0xFFFFFFF0] =	vst v9  }
0xe3: {  	v12 =	vld.idx.msk [tilespmem:v13+s8+$0x0], $0xffff  }
.Ltmp1:
0xe4: {  	s18 =	sadd.s32 $0x30, s17;
	(pc) =	sbr.rel @p0 .LBB2_4-.Ltmp1, $3  }
0xe5: {  	v9 =	vor.u32 s18, v0  }
0xe6: {  	v11 =	vmulhi.u32 $0xAAAAAAAB, v9;
	_ =	sdelay $0x1  }
0xe7: {  	s17 =	sadd.s32 $0x40, s17;
	v13 =	vmul.u32 $0xFFFFFFFA, v13;
	v11 =	vshrl.u32 v11, $0x2  }
0xe8: {  	v12 =	vmul.u32 $0x6, v12  }
0xe9: {  	v10 =	vadd.s32 v10, v13  }
0xea: {  	v10 =	vadd.s32 v12, v10  }
0xeb: {  	[tilespmem:s15+$0x0] =	vst v10  }
0xec: {  	v10 =	vld.idx.msk [tilespmem:v11+s8+$0x0], $0xffff;
	_ =	sdelay $0x3  }
0xed: {  	v11 =	vmul.u32 $0xFFFFFFFA, v11  }
0xee: {  	v10 =	vmul.u32 $0x6, v10  }
0xef: {  	v9 =	vadd.s32 v9, v11  }
0xf0: {  	v9 =	vadd.s32 v10, v9  }
0xf1: {  	s17 =	simm.s32 $0xE00;
	s16 =	simm.s32 $0x1A00;
	[tilespmem:s15+$0x10] =	vst v9  }
0xf2: {  	[tilespmem:s16], [sflag:$0x1] =	stream.indirect.gather [hbm4b:s2+s9], $0x1, s17, s9, $0xb8;
	[tilespmem:$0x3200] =	vst v63  }
0xf3: {  	s18 =	simm.s32 $0xE80;
	s20 =	simm.s32 $0x1A80  }
0xf4: {  	[tilespmem:s20], [sflag:$0x1] =	stream.indirect.gather [hbm4b:s2+s9], $0x1, s18, s9, $0xb8;
	[tilespmem:$0x3200] =	vst v63  }
0xf5: {  	s16 =	simm.s32 $0xF00;
	s17 =	simm.s32 $0x1B00  }
0xf6: {  	[tilespmem:s17], [sflag:$0x1] =	stream.indirect.gather [hbm4b:s2+s9], $0x1, s16, s9, $0xb8;
	[tilespmem:$0x3200] =	vst v63  }
0xf7: {  	s18 =	simm.s32 $0xF80;
	s20 =	simm.s32 $0x1B80  }
0xf8: {  	[tilespmem:s20], [sflag:$0x1] =	stream.indirect.gather [hbm4b:s2+s9], $0x1, s18, s9, $0xb8;
	[tilespmem:$0x3200] =	vst v63  }
0xf9: {  	s16 =	simm.s32 $0x1000;
	s17 =	simm.s32 $0x1C00  }
0xfa: {  	[tilespmem:s17], [sflag:$0x1] =	stream.indirect.gather [hbm4b:s2+s9], $0x1, s16, s9, $0xb8;
	[tilespmem:$0x3200] =	vst v63  }
0xfb: {  	s18 =	simm.s32 $0x1080;
	s20 =	simm.s32 $0x1C80  }
0xfc: {  	[tilespmem:s20], [sflag:$0x1] =	stream.indirect.gather [hbm4b:s2+s9], $0x1, s18, s9, $0xb8;
	[tilespmem:$0x3200] =	vst v63  }
0xfd: {  	s16 =	simm.s32 $0x1100;
	s17 =	simm.s32 $0x1D00  }
0xfe: {  	[tilespmem:s17], [sflag:$0x1] =	stream.indirect.gather [hbm4b:s2+s9], $0x1, s16, s9, $0xb8;
	[tilespmem:$0x3200] =	vst v63  }
0xff: {  	s18 =	simm.s32 $0x1180;
	s20 =	simm.s32 $0x1D80  }
0x100: {  	[tilespmem:s20], [sflag:$0x1] =	stream.indirect.gather [hbm4b:s2+s9], $0x1, s18, s9, $0xb8;
	[tilespmem:$0x3200] =	vst v63  }
0x101: {  	s16 =	simm.s32 $0x1200;
	s17 =	simm.s32 $0x1E00  }
0x102: {  	[tilespmem:s17], [sflag:$0x1] =	stream.indirect.gather [hbm4b:s2+s9], $0x1, s16, s9, $0xb8;
	[tilespmem:$0x3200] =	vst v63  }
0x103: {  	s18 =	simm.s32 $0x1280;
	s20 =	simm.s32 $0x1E80  }
0x104: {  	[tilespmem:s20], [sflag:$0x1] =	stream.indirect.gather [hbm4b:s2+s9], $0x1, s18, s9, $0xb8;
	[tilespmem:$0x3200] =	vst v63  }
0x105: {  	s16 =	simm.s32 $0x1300;
	s17 =	simm.s32 $0x1F00  }
0x106: {  	[tilespmem:s17], [sflag:$0x1] =	stream.indirect.gather [hbm4b:s2+s9], $0x1, s16, s9, $0xb8;
	[tilespmem:$0x3200] =	vst v63  }
0x107: {  	s18 =	simm.s32 $0x1380;
	s20 =	simm.s32 $0x1F80  }
0x108: {  	[tilespmem:s20], [sflag:$0x1] =	stream.indirect.gather [hbm4b:s2+s9], $0x1, s18, s9, $0xb8;
	[tilespmem:$0x3200] =	vst v63  }
0x109: {  	s16 =	simm.s32 $0x1400;
	s17 =	simm.s32 $0x2000  }
0x10a: {  	[tilespmem:s17], [sflag:$0x1] =	stream.indirect.gather [hbm4b:s2+s9], $0x1, s16, s9, $0xb8;
	[tilespmem:$0x3200] =	vst v63  }
0x10b: {  	s18 =	simm.s32 $0x1480;
	s20 =	simm.s32 $0x2080  }
0x10c: {  	[tilespmem:s20], [sflag:$0x1] =	stream.indirect.gather [hbm4b:s2+s9], $0x1, s18, s9, $0xb8;
	[tilespmem:$0x3200] =	vst v63  }
0x10d: {  	s16 =	simm.s32 $0x1500;
	s17 =	simm.s32 $0x2100  }
0x10e: {  	[tilespmem:s17], [sflag:$0x1] =	stream.indirect.gather [hbm4b:s2+s9], $0x1, s16, s9, $0xb8;
	[tilespmem:$0x3200] =	vst v63  }
0x10f: {  	s18 =	simm.s32 $0x1580;
	s20 =	simm.s32 $0x2180  }
0x110: {  	[tilespmem:s20], [sflag:$0x1] =	stream.indirect.gather [hbm4b:s2+s9], $0x1, s18, s9, $0xb8;
	[tilespmem:$0x3200] =	vst v63  }
0x111: {  	s17 =	simm.s32 $0x1600;
	s18 =	simm.s32 $0x2200  }
0x112: {  	[tilespmem:s18], [sflag:$0x1] =	stream.indirect.gather [hbm4b:s2+s9], $0x1, s17, s9, $0xb8;
	[tilespmem:$0x3200] =	vst v63  }
0x113: {  	_ = 	snop  }
0x114: {  	[tilespmem:s22], [sflag:$0x1] =	stream.indirect.gather [hbm4b:s2+s9], $0x1, s21, s9, $0xb8;
	[tilespmem:$0x3200] =	vst v63  }
0x115: {  	_ = 	snop  }
0x116: {  	[tilespmem:s24], [sflag:$0x1] =	stream.indirect.gather [hbm4b:s2+s9], $0x1, s23, s9, $0xb8;
	[tilespmem:$0x3200] =	vst v63  }
0x117: {  	_ = 	snop  }
0x118: {  	[tilespmem:s26], [sflag:$0x1] =	stream.indirect.gather [hbm4b:s2+s9], $0x1, s25, s9, $0xb8;
	[tilespmem:$0x3200] =	vst v63  }
0x119: {  	_ = 	snop  }
0x11a: {  	[tilespmem:s29], [sflag:$0x1] =	stream.indirect.gather [hbm4b:s2+s9], $0x1, s28, s9, $0xb8;
	[tilespmem:$0x3200] =	vst v63  }
0x11b: {  	_ = 	snop  }
0x11c: {  	[tilespmem:s31], [sflag:$0x1] =	stream.indirect.gather [hbm4b:s2+s9], $0x1, s30, s9, $0xb8;
	[tilespmem:$0x3200] =	vst v63  }
0x11d: {  	_ = 	snop  }
0x11e: {  	[tilespmem:s1], [sflag:$0x1] =	stream.indirect.gather [hbm4b:s2+s9], $0x1, s0, s9, $0xb8;
	[tilespmem:$0x3200] =	vst v63  }
0x11f: {  	_ = 	snop  }
0x120: {  	[tilespmem:s11], [sflag:$0x1] =	stream.indirect.gather [hbm4b:s2+s9], $0x1, s10, s9, $0xb8;
	[tilespmem:$0x3200] =	vst v63  }
0x121: {  	_ =	swait.ge [sflag:s12], $0x80  }
0x122: {  	[sflag:s12] =	ssyncset.done $0x0  }
0x123: {  	[sflag:s12] =	ssyncadd.s32 $0xFFFFFF80  }
0x124: {  	_ =	swait.ge [sflag:s12], $0x80  }
0x125: {  	[sflag:s12] =	ssyncset.done $0x0  }
0x126: {  	[sflag:s12] =	ssyncadd.s32 $0xFFFFFF80  }
0x127: {  	_ =	swait.ge [sflag:s12], $0x80  }
0x128: {  	[sflag:s12] =	ssyncset.done $0x0  }
0x129: {  	[sflag:s12] =	ssyncadd.s32 $0xFFFFFF80  }
0x12a: {  	_ =	swait.ge [sflag:s12], $0x80  }
0x12b: {  	[sflag:s12] =	ssyncset.done $0x0  }
0x12c: {  	[sflag:s12] =	ssyncadd.s32 $0xFFFFFF80  }
0x12d: {  	_ =	swait.ge [sflag:s12], $0x80  }
0x12e: {  	[sflag:s12] =	ssyncset.done $0x0  }
0x12f: {  	[sflag:s12] =	ssyncadd.s32 $0xFFFFFF80  }
0x130: {  	_ =	swait.ge [sflag:s12], $0x80  }
0x131: {  	[sflag:s12] =	ssyncset.done $0x0  }
0x132: {  	[sflag:s12] =	ssyncadd.s32 $0xFFFFFF80  }
0x133: {  	_ =	swait.ge [sflag:s12], $0x80  }
0x134: {  	[sflag:s12] =	ssyncset.done $0x0  }
0x135: {  	[sflag:s12] =	ssyncadd.s32 $0xFFFFFF80  }
0x136: {  	_ =	swait.ge [sflag:s12], $0x80  }
0x137: {  	[sflag:s12] =	ssyncset.done $0x0  }
0x138: {  	[sflag:s12] =	ssyncadd.s32 $0xFFFFFF80  }
0x139: {  	_ =	swait.ge [sflag:s12], $0x80  }
0x13a: {  	[sflag:s12] =	ssyncset.done $0x0  }
0x13b: {  	[sflag:s12] =	ssyncadd.s32 $0xFFFFFF80  }
0x13c: {  	_ =	swait.ge [sflag:s12], $0x80  }
0x13d: {  	[sflag:s12] =	ssyncset.done $0x0  }
0x13e: {  	[sflag:s12] =	ssyncadd.s32 $0xFFFFFF80  }
0x13f: {  	_ =	swait.ge [sflag:s12], $0x80  }
0x140: {  	[sflag:s12] =	ssyncset.done $0x0  }
0x141: {  	[sflag:s12] =	ssyncadd.s32 $0xFFFFFF80  }
0x142: {  	_ =	swait.ge [sflag:s12], $0x80  }
0x143: {  	[sflag:s12] =	ssyncset.done $0x0  }
0x144: {  	[sflag:s12] =	ssyncadd.s32 $0xFFFFFF80  }
0x145: {  	_ =	swait.ge [sflag:s12], $0x80  }
0x146: {  	[sflag:s12] =	ssyncset.done $0x0  }
0x147: {  	[sflag:s12] =	ssyncadd.s32 $0xFFFFFF80  }
0x148: {  	_ =	swait.ge [sflag:s12], $0x80  }
0x149: {  	[sflag:s12] =	ssyncset.done $0x0  }
0x14a: {  	[sflag:s12] =	ssyncadd.s32 $0xFFFFFF80  }
0x14b: {  	_ =	swait.ge [sflag:s12], $0x80  }
0x14c: {  	[sflag:s12] =	ssyncset.done $0x0  }
0x14d: {  	[sflag:s12] =	ssyncadd.s32 $0xFFFFFF80  }
0x14e: {  	_ =	swait.ge [sflag:s12], $0x80  }
0x14f: {  	[sflag:s12] =	ssyncset.done $0x0  }
0x150: {  	[sflag:s12] =	ssyncadd.s32 $0xFFFFFF80  }
0x151: {  	_ =	swait.ge [sflag:s12], $0x80  }
0x152: {  	[sflag:s12] =	ssyncset.done $0x0  }
0x153: {  	[sflag:s12] =	ssyncadd.s32 $0xFFFFFF80  }
0x154: {  	_ =	swait.ge [sflag:s12], $0x80  }
0x155: {  	[sflag:s12] =	ssyncset.done $0x0  }
0x156: {  	[sflag:s12] =	ssyncadd.s32 $0xFFFFFF80  }
0x157: {  	_ =	swait.ge [sflag:s12], $0x80  }
0x158: {  	[sflag:s12] =	ssyncset.done $0x0  }
0x159: {  	[sflag:s12] =	ssyncadd.s32 $0xFFFFFF80  }
0x15a: {  	_ =	swait.ge [sflag:s12], $0x80  }
0x15b: {  	[sflag:s12] =	ssyncset.done $0x0  }
0x15c: {  	[sflag:s12] =	ssyncadd.s32 $0xFFFFFF80  }
0x15d: {  	_ =	swait.ge [sflag:s12], $0x80  }
0x15e: {  	[sflag:s12] =	ssyncset.done $0x0  }
0x15f: {  	[sflag:s12] =	ssyncadd.s32 $0xFFFFFF80  }
0x160: {  	_ =	swait.ge [sflag:s12], $0x80  }
0x161: {  	[sflag:s12] =	ssyncset.done $0x0  }
0x162: {  	[sflag:s12] =	ssyncadd.s32 $0xFFFFFF80  }
0x163: {  	_ =	swait.ge [sflag:s12], $0x80  }
0x164: {  	[sflag:s12] =	ssyncset.done $0x0  }
0x165: {  	[sflag:s12] =	ssyncadd.s32 $0xFFFFFF80  }
0x166: {  	_ =	swait.ge [sflag:s12], $0x80  }
0x167: {  	[sflag:s12] =	ssyncset.done $0x0  }
0x168: {  	s20 =	simm.s32 $0x1A20;
	[sflag:s12] =	ssyncadd.s32 $0xFFFFFF80  }
0x169: {  	v9 =	vld [tilespmem:s20+$0xFFFFFFE0];
	_ =	sdelay $0x4  }
0x16a: {  	v9 =	vtrunc.f32 v9  }
0x16b: {  	v9 =	vcvt.f32.s32 v9;
	_ =	sdelay $0x1  }
0x16c: {  	s15 =	simm.s32 $0x2620;
	v9 =	vadd.s32 $0x1, v9  }
0x16d: {  	[tilespmem:s15+$0xFFFFFFE0] =	vst v9  }
0x16e: {  	v9 =	vld [tilespmem:s20+$0xFFFFFFF0];
	_ =	sdelay $0x4  }
0x16f: {  	v9 =	vtrunc.f32 v9  }
0x170: {  	v9 =	vcvt.f32.s32 v9;
	_ =	sdelay $0x1  }
0x171: {  	v9 =	vadd.s32 $0x1, v9  }
0x172: {  	[tilespmem:s15+$0xFFFFFFF0] =	vst v9  }
0x173: {  	v9 =	vld [tilespmem:s20+$0x0];
	_ =	sdelay $0x4  }
0x174: {  	v9 =	vtrunc.f32 v9  }
0x175: {  	v9 =	vcvt.f32.s32 v9;
	_ =	sdelay $0x1  }
0x176: {  	v9 =	vadd.s32 $0x1, v9  }
0x177: {  	[tilespmem:s15+$0x0] =	vst v9  }
0x178: {  	v9 =	vld [tilespmem:s20+$0x10];
	_ =	sdelay $0x4  }
0x179: {  	v9 =	vtrunc.f32 v9  }
0x17a: {  	v9 =	vcvt.f32.s32 v9;
	_ =	sdelay $0x1  }
0x17b: {  	v9 =	vadd.s32 $0x1, v9  }
0x17c: {  	s16 =	simm.s32 $0x0;
	s17 =	simm.s32 $0x1A60;
	[tilespmem:s15+$0x10] =	vst v9  }
.LBB2_6:
0x17d: {  	v9 =	vld [tilespmem:s17+$0xFFFFFFE0];
	s16 =	sadd.s32 $0x4, s16  }
0x17e: {  	p0 =	slt.u32 s16, $0xBC;
	_ =	sdelay $0x3  }
0x17f: {  	v9 =	vtrunc.f32 v9  }
0x180: {  	v9 =	vcvt.f32.s32 v9;
	_ =	sdelay $0x1  }
0x181: {  	s15 =	sadd.s32 $0x40, s15;
	v9 =	vadd.s32 $0x1, v9  }
0x182: {  	[tilespmem:s15+$0xFFFFFFE0] =	vst v9  }
0x183: {  	v9 =	vld [tilespmem:s17+$0xFFFFFFF0];
	_ =	sdelay $0x4  }
0x184: {  	v9 =	vtrunc.f32 v9  }
0x185: {  	v9 =	vcvt.f32.s32 v9;
	_ =	sdelay $0x1  }
0x186: {  	v9 =	vadd.s32 $0x1, v9  }
0x187: {  	[tilespmem:s15+$0xFFFFFFF0] =	vst v9  }
0x188: {  	v9 =	vld [tilespmem:s17+$0x0];
	_ =	sdelay $0x4  }
0x189: {  	v9 =	vtrunc.f32 v9  }
0x18a: {  	v9 =	vcvt.f32.s32 v9;
	_ =	sdelay $0x1  }
0x18b: {  	v9 =	vadd.s32 $0x1, v9  }
0x18c: {  	[tilespmem:s15+$0x0] =	vst v9  }
0x18d: {  	v9 =	vld [tilespmem:s17+$0x10];
	_ =	sdelay $0x4  }
.Ltmp2:
0x18e: {  	v9 =	vtrunc.f32 v9;
	(pc) =	sbr.rel @p0 .LBB2_6-.Ltmp2, $3  }
0x18f: {  	v9 =	vcvt.f32.s32 v9;
	_ =	sdelay $0x1  }
0x190: {  	v9 =	vadd.s32 $0x1, v9  }
0x191: {  	s17 =	sadd.s32 $0x40, s17;
	[tilespmem:s15+$0x10] =	vst v9  }
0x192: {  	s14 =	sadd.s32 $0x1, s14  }
0x193: {  	p0 =	sne.s32 s14, s6  }
.Ltmp3:
0x194: {  	_ = 	snop;
	(pc) =	sbr.rel @p0 .LBB2_1-.Ltmp3, $4  }
0x195: {  	[hbm4b:s5+s3] =	stream.linear.scatter [tilespmem:s13], [sflag:$0x2], $0xC00, $0x38;
	[tilespmem:$0x3200] =	vst v63  }
0x196: {  	_ =	swait.ge [sflag:s7], $0xC00  }
0x197: {  	[sflag:s7] =	ssyncset.done $0x0  }
0x198: {  	[sflag:s7] =	ssyncadd.s32 $0xFFFFF400  }
0x199: {  	_ =	sfence.sel $0x180000  }
0x19a: {  	[bflag:$0x0] =	sbarrier.arrive $0xFFFF  }
0x19b: {  	_ =	strace $0x90000047  }
0x19c: {  	s0 =	stileid.u32;
	[bflag:$0x2] =	sbarrier.arrive $0xFFFF  }
0x19d: {  	p0 =	sne.s32 s0, $0x0;
	s0 =	rddreg [dreg:$0x3]  }
0x19e: {  	s0 =	sadd.s32 @!p0 $0x100000, s0  }
0x19f: {  	[sflag:s0] =	ssyncadd.tile.s32 @!p0 $0x1;
	_ =	shalt  }
.Lfunc_end2:
_tile_overlayer_lowered:
.L_overlay_start_2:
0x1a0: {  	(tag) =	ssettag $0x2  }
0x1a1: {  	s0 =	rddreg [dreg:$0x0];
	s2 =	stileid.u32  }
0x1a2: {  	s1 =	rddreg [dreg:$0x1];
	p0 =	sne.s32 s2, $0x0  }
0x1a3: {  	s3 =	rddreg [dreg:$0x2];
	[bflag:$0x3] =	sbarrier.arrive $0xFFFF;
	s2 =	simm.s32 @!p0 $0x1C02  }
0x1a4: {  	[timem:s3], [sflag:s2] =	dma.local @!p0 [hbm:s0], s1  }
0x1a5: {  	s0 =	simm.s32 @!p0 $0x2  }
0x1a6: {  	_ =	swait.ge @!p0 [sflag:s0], s1  }
0x1a7: {  	s1 =	ssub.s32 @!p0 $0x0, s1;
	[sflag:s0] =	ssyncset.done @!p0 $0x0  }
0x1a8: {  	[sflag:s0] =	ssyncadd.s32 @!p0 s1  }
0x1a9: {  	[bflag:$0x3] =	sbarrier.arrive $0xFFFF  }
0x1aa: {  	_ =	shalt  }

</sc_bundles>
